<compile_context>
chip_gen: v7x
topology: tpu7x:2x2x1
jax: 0.10.2.dev20260603
libtpu: 0.0.44.dev20260713+nightly
codegen_flags: <defaults>
</compile_context>

<pallas_src>
import jax
import jax.numpy as jnp
from jax import lax
from jax.experimental import pallas as pl
from jax.experimental.pallas import tpu as pltpu
from jax.experimental.pallas import tpu_sc as plsc

ROWS = 128
COLS = 32768
K = 64

_NC = 2
_NS = 16
_L = 16
_NW = _NC * _NS

SC_ROWS = 32
TC_ROWS = ROWS - SC_ROWS
_SC_RPW = SC_ROWS // _NW
_SC_CHUNK = 8192
_SC_CPR = COLS // _SC_CHUNK
_SC_NCH = _SC_RPW * _SC_CPR
_UNROLL = 16
_NBUF = 4
TC_CHUNK = 4096



def _sc_reduce_body(out_hbm, y_hbm, res_hbm,
                    ob0, ob1, ob2, ob3, yb0, yb1, yb2, yb3, resbuf,
                    so0, so1, so2, so3, sy0, sy1, sy2, sy3):
    w = lax.axis_index("s") * _NC + lax.axis_index("c")
    obufs = (ob0, ob1, ob2, ob3)
    ybufs = (yb0, yb1, yb2, yb3)
    osems = (so0, so1, so2, so3)
    ysems = (sy0, sy1, sy2, sy3)

    def start(j):
        b = j % _NBUF
        row = TC_ROWS + w * _SC_RPW + j // _SC_CPR
        col = (j % _SC_CPR) * _SC_CHUNK
        oc = pltpu.async_copy(out_hbm.at[row, pl.ds(col, _SC_CHUNK)],
                              obufs[b], osems[b])
        yc = pltpu.async_copy(y_hbm.at[row, pl.ds(col, _SC_CHUNK)],
                              ybufs[b], ysems[b])
        return oc, yc

    pending = {}
    for j in range(min(_NBUF, _SC_NCH)):
        pending[j] = start(j)
    accs = tuple(jnp.zeros((_L,), jnp.float32) for _ in range(_UNROLL))
    for j in range(_SC_NCH):
        oc, yc = pending.pop(j)
        oc.wait()
        yc.wait()
        b = j % _NBUF
        ob, yb = obufs[b], ybufs[b]

        def body(i, a):
            base = i * (_L * _UNROLL)
            upd = []
            for u in range(_UNROLL):
                o = ob[pl.ds(base + u * _L, _L)]
                yv = yb[pl.ds(base + u * _L, _L)]
                d = o - yv
                upd.append(a[u] + d * d)
            return tuple(upd)

        accs = lax.fori_loop(0, _SC_CHUNK // (_L * _UNROLL), body, accs)
        if j + _NBUF < _SC_NCH:
            pending[j + _NBUF] = start(j + _NBUF)
        if j % _SC_CPR == _SC_CPR - 1:
            total = accs[0]
            for u in range(1, _UNROLL):
                total = total + accs[u]
            resbuf[j // _SC_CPR, :] = total
            accs = tuple(jnp.zeros((_L,), jnp.float32) for _ in range(_UNROLL))
    pltpu.sync_copy(resbuf, res_hbm.at[w])


_sc_reduce_cache = []


def _sc_reduce(out, y):
    if not _sc_reduce_cache:
        mesh = plsc.VectorSubcoreMesh(core_axis_name="c", subcore_axis_name="s")
        _sc_reduce_cache.append(pl.kernel(
            _sc_reduce_body,
            mesh=mesh,
            out_type=jax.ShapeDtypeStruct((_NW, _SC_RPW, _L), jnp.float32),
            scratch_types=(
                [pltpu.VMEM((_SC_CHUNK,), jnp.float32)] * (2 * _NBUF)
                + [pltpu.VMEM((_SC_RPW, _L), jnp.float32)]
                + [pltpu.SemaphoreType.DMA] * (2 * _NBUF)
            ),
        ))
    return _sc_reduce_cache[0](out, y)



def _tc_reduce_body(out_ref, y_ref, res_ref):
    pid = pl.program_id(0)
    d = out_ref[...] - y_ref[...]
    partial = jnp.sum(d * d, axis=1, keepdims=True)

    @pl.when(pid == 0)
    def _init():
        res_ref[...] = partial

    @pl.when(pid != 0)
    def _accum():
        res_ref[...] += partial


def _tc_reduce(out, y):
    nsteps = COLS // TC_CHUNK
    return pl.pallas_call(
        _tc_reduce_body,
        grid=(nsteps,),
        in_specs=[
            pl.BlockSpec((TC_ROWS, TC_CHUNK), lambda i: (0, i)),
            pl.BlockSpec((TC_ROWS, TC_CHUNK), lambda i: (0, i)),
        ],
        out_specs=pl.BlockSpec((TC_ROWS, 1), lambda i: (0, 0)),
        out_shape=jax.ShapeDtypeStruct((TC_ROWS, 1), jnp.float32),
        compiler_params=pltpu.CompilerParams(
            dimension_semantics=("arbitrary",),
        ),
    )(out, y)



def _merge_body(tc_ref, sc_ref, res_ref):
    vtc = tc_ref[...]
    vsc = jnp.sum(sc_ref[...], axis=1, keepdims=True)
    v = jnp.concatenate([vtc, vsc], axis=0) * (1.0 / COLS)
    eye = (lax.broadcasted_iota(jnp.int32, (ROWS, ROWS), 0) ==
           lax.broadcasted_iota(jnp.int32, (ROWS, ROWS), 1)).astype(jnp.float32)
    vrow = lax.dot_general(v, eye, (((0,), (0,)), ((), ())),
                           preferred_element_type=jnp.float32)
    gt = (vrow > v).astype(jnp.float32)
    ones = jnp.ones((ROWS, 1), jnp.float32)
    rank = lax.dot_general(gt, ones, (((1,), (0,)), ((), ())),
                           preferred_element_type=jnp.float32)
    cand = rank < K
    t = jnp.min(jnp.where(cand, v, jnp.inf))
    above = v > t
    n_above = jnp.sum(above.astype(jnp.float32))
    s_above = jnp.sum(jnp.where(above, v, 0.0))
    total = s_above + t * (K - n_above)
    res_ref[...] = total.reshape(1, 1)


def _merge(tc_part, sc_part):
    res = pl.pallas_call(
        _merge_body,
        out_shape=jax.ShapeDtypeStruct((1, 1), jnp.float32),
    )(tc_part, sc_part.reshape(SC_ROWS, _L))
    return res[0, 0]


def kernel(out, y):
    tc_part = _tc_reduce(out, y)
    sc_part = _sc_reduce(out, y)
    return _merge(tc_part, sc_part)

# --- scband reference (transcript-rebuilt; emitter-appended) ---
"""Pipeline reference for scband-spl-86131274154226 (READ-ONLY COPY).

The authoritative reference and input builder live on the scoring server;
editing this copy changes nothing except your own understanding.
"""

import jax, jax.numpy as jnp
import numpy as np

def setup_inputs(seed: int = 0) -> dict:
    key = jax.random.key(seed)
    k1, k2 = jax.random.split(key)
    out = jax.random.normal(k1, (128, 32768), dtype=jnp.float32)
    y = jax.random.normal(k2, (128, 32768), dtype=jnp.float32)
    return {"out": out, "y": y}

def reference(out, y):
    learn_percent = 0.5
    # per-sample MSE loss (matches nn.MSELoss() applied row-wise with mean reduction)
    per_sample = jnp.mean((out - y) ** 2, axis=1)
    k = int(out.shape[0] * learn_percent)
    # torch.topk defaults to largest=True; result is the sum of the top-k losses
    vals, idx = jax.lax.top_k(per_sample, k)
    return jnp.sum(vals)

if __name__ == "__main__":
    import jax
    _d = setup_inputs()
    print(jax.jit(kernel)(*tuple(_d.values())))

</pallas_src>

<mosaic_0001>
#map = affine_map<(d0, d1) -> (0, 0)>
#map1 = affine_map<(d0, d1) -> (0, 0, 0)>
module attributes {stable_mosaic.version = 14 : i64} {
  func.func @_sc_reduce_body(%arg0: i32, %arg1: i32, %arg2: memref<128x32768xf32, #tpu.memory_space<hbm>>, %arg3: memref<128x32768xf32, #tpu.memory_space<hbm>>, %arg4: memref<32x1x16xf32, #tpu.memory_space<hbm>>, %arg5: memref<8192xf32, #tpu.memory_space<vmem>>, %arg6: memref<8192xf32, #tpu.memory_space<vmem>>, %arg7: memref<8192xf32, #tpu.memory_space<vmem>>, %arg8: memref<8192xf32, #tpu.memory_space<vmem>>, %arg9: memref<8192xf32, #tpu.memory_space<vmem>>, %arg10: memref<8192xf32, #tpu.memory_space<vmem>>, %arg11: memref<8192xf32, #tpu.memory_space<vmem>>, %arg12: memref<8192xf32, #tpu.memory_space<vmem>>, %arg13: memref<1x16xf32, #tpu.memory_space<vmem>>, %arg14: memref<!tpu.dma_semaphore, #tpu.memory_space<semaphore_mem>>, %arg15: memref<!tpu.dma_semaphore, #tpu.memory_space<semaphore_mem>>, %arg16: memref<!tpu.dma_semaphore, #tpu.memory_space<semaphore_mem>>, %arg17: memref<!tpu.dma_semaphore, #tpu.memory_space<semaphore_mem>>, %arg18: memref<!tpu.dma_semaphore, #tpu.memory_space<semaphore_mem>>, %arg19: memref<!tpu.dma_semaphore, #tpu.memory_space<semaphore_mem>>, %arg20: memref<!tpu.dma_semaphore, #tpu.memory_space<semaphore_mem>>, %arg21: memref<!tpu.dma_semaphore, #tpu.memory_space<semaphore_mem>>) attributes {dimension_semantics = [#tpu.dimension_semantics<core_parallel>, #tpu.dimension_semantics<subcore_parallel>], iteration_bounds = array<i64: 2, 16>, scalar_prefetch = 0 : i64, scratch_operands = 17 : i64, tpu.core_type = #tpu.core_type<sc_vector_subcore>, window_params = [{transform_indices = #map}, {transform_indices = #map}, {transform_indices = #map1}]} {
    %mul3A = arith.constant 2 : i32
    %mul3A_0 = arith.muli %arg1, %mul3A : i32
    %add3A = arith.addi %mul3A_0, %arg0 : i32
    %mul3A_1 = arith.constant 1 : i32
    %mul3A_2 = arith.muli %add3A, %mul3A_1 : i32
    %add3A_3 = arith.constant 96 : i32
    %add3A_4 = arith.addi %add3A_3, %mul3A_2 : i32
    %add3A_5 = arith.constant 0 : i32
    %add3A_6 = arith.addi %add3A_4, %add3A_5 : i32
    %dma_start3A = arith.constant 0 : i32
    %dma_start3A_7 = tpu.memref_slice %arg2[%add3A_6, %dma_start3A] : memref<128x32768xf32, #tpu.memory_space<hbm>> -> memref<1x8192xf32, #tpu.memory_space<hbm>>
    %dma_start3A_8 = tpu.memref_squeeze %dma_start3A_7 : memref<1x8192xf32, #tpu.memory_space<hbm>> -> memref<8192xf32, #tpu.memory_space<hbm>>
    %dma_start3A_9 = arith.constant 0 : i32
    %dma_start3A_10 = tpu.memref_slice %arg2[%add3A_6, %dma_start3A_9] : memref<128x32768xf32, #tpu.memory_space<hbm>> -> memref<1x8192xf32, #tpu.memory_space<hbm>>
    %dma_start3A_11 = tpu.memref_squeeze %dma_start3A_10 : memref<1x8192xf32, #tpu.memory_space<hbm>> -> memref<8192xf32, #tpu.memory_space<hbm>>
    tpu.enqueue_dma source(%dma_start3A_11 : memref<8192xf32, #tpu.memory_space<hbm>>) target(%arg5 : memref<8192xf32, #tpu.memory_space<vmem>>) target_semaphore(%arg14 : memref<!tpu.dma_semaphore, #tpu.memory_space<semaphore_mem>>)
    %dma_start3A_12 = arith.constant 0 : i32
    %dma_start3A_13 = tpu.memref_slice %arg3[%add3A_6, %dma_start3A_12] : memref<128x32768xf32, #tpu.memory_space<hbm>> -> memref<1x8192xf32, #tpu.memory_space<hbm>>
    %dma_start3A_14 = tpu.memref_squeeze %dma_start3A_13 : memref<1x8192xf32, #tpu.memory_space<hbm>> -> memref<8192xf32, #tpu.memory_space<hbm>>
    %dma_start3A_15 = arith.constant 0 : i32
    %dma_start3A_16 = tpu.memref_slice %arg3[%add3A_6, %dma_start3A_15] : memref<128x32768xf32, #tpu.memory_space<hbm>> -> memref<1x8192xf32, #tpu.memory_space<hbm>>
    %dma_start3A_17 = tpu.memref_squeeze %dma_start3A_16 : memref<1x8192xf32, #tpu.memory_space<hbm>> -> memref<8192xf32, #tpu.memory_space<hbm>>
    tpu.enqueue_dma source(%dma_start3A_17 : memref<8192xf32, #tpu.memory_space<hbm>>) target(%arg9 : memref<8192xf32, #tpu.memory_space<vmem>>) target_semaphore(%arg18 : memref<!tpu.dma_semaphore, #tpu.memory_space<semaphore_mem>>)
    %mul3A_18 = arith.constant 1 : i32
    %mul3A_19 = arith.muli %add3A, %mul3A_18 : i32
    %add3A_20 = arith.constant 96 : i32
    %add3A_21 = arith.addi %add3A_20, %mul3A_19 : i32
    %add3A_22 = arith.constant 0 : i32
    %add3A_23 = arith.addi %add3A_21, %add3A_22 : i32
    %dma_start3A_24 = arith.constant 8192 : i32
    %dma_start3A_25 = tpu.memref_slice %arg2[%add3A_23, %dma_start3A_24] : memref<128x32768xf32, #tpu.memory_space<hbm>> -> memref<1x8192xf32, #tpu.memory_space<hbm>>
    %dma_start3A_26 = tpu.memref_squeeze %dma_start3A_25 : memref<1x8192xf32, #tpu.memory_space<hbm>> -> memref<8192xf32, #tpu.memory_space<hbm>>
    %dma_start3A_27 = arith.constant 8192 : i32
    %dma_start3A_28 = tpu.memref_slice %arg2[%add3A_23, %dma_start3A_27] : memref<128x32768xf32, #tpu.memory_space<hbm>> -> memref<1x8192xf32, #tpu.memory_space<hbm>>
    %dma_start3A_29 = tpu.memref_squeeze %dma_start3A_28 : memref<1x8192xf32, #tpu.memory_space<hbm>> -> memref<8192xf32, #tpu.memory_space<hbm>>
    tpu.enqueue_dma source(%dma_start3A_29 : memref<8192xf32, #tpu.memory_space<hbm>>) target(%arg6 : memref<8192xf32, #tpu.memory_space<vmem>>) target_semaphore(%arg15 : memref<!tpu.dma_semaphore, #tpu.memory_space<semaphore_mem>>)
    %dma_start3A_30 = arith.constant 8192 : i32
    %dma_start3A_31 = tpu.memref_slice %arg3[%add3A_23, %dma_start3A_30] : memref<128x32768xf32, #tpu.memory_space<hbm>> -> memref<1x8192xf32, #tpu.memory_space<hbm>>
    %dma_start3A_32 = tpu.memref_squeeze %dma_start3A_31 : memref<1x8192xf32, #tpu.memory_space<hbm>> -> memref<8192xf32, #tpu.memory_space<hbm>>
    %dma_start3A_33 = arith.constant 8192 : i32
    %dma_start3A_34 = tpu.memref_slice %arg3[%add3A_23, %dma_start3A_33] : memref<128x32768xf32, #tpu.memory_space<hbm>> -> memref<1x8192xf32, #tpu.memory_space<hbm>>
    %dma_start3A_35 = tpu.memref_squeeze %dma_start3A_34 : memref<1x8192xf32, #tpu.memory_space<hbm>> -> memref<8192xf32, #tpu.memory_space<hbm>>
    tpu.enqueue_dma source(%dma_start3A_35 : memref<8192xf32, #tpu.memory_space<hbm>>) target(%arg10 : memref<8192xf32, #tpu.memory_space<vmem>>) target_semaphore(%arg19 : memref<!tpu.dma_semaphore, #tpu.memory_space<semaphore_mem>>)
    %mul3A_36 = arith.constant 1 : i32
    %mul3A_37 = arith.muli %add3A, %mul3A_36 : i32
    %add3A_38 = arith.constant 96 : i32
    %add3A_39 = arith.addi %add3A_38, %mul3A_37 : i32
    %add3A_40 = arith.constant 0 : i32
    %add3A_41 = arith.addi %add3A_39, %add3A_40 : i32
    %dma_start3A_42 = arith.constant 16384 : i32
    %dma_start3A_43 = tpu.memref_slice %arg2[%add3A_41, %dma_start3A_42] : memref<128x32768xf32, #tpu.memory_space<hbm>> -> memref<1x8192xf32, #tpu.memory_space<hbm>>
    %dma_start3A_44 = tpu.memref_squeeze %dma_start3A_43 : memref<1x8192xf32, #tpu.memory_space<hbm>> -> memref<8192xf32, #tpu.memory_space<hbm>>
    %dma_start3A_45 = arith.constant 16384 : i32
    %dma_start3A_46 = tpu.memref_slice %arg2[%add3A_41, %dma_start3A_45] : memref<128x32768xf32, #tpu.memory_space<hbm>> -> memref<1x8192xf32, #tpu.memory_space<hbm>>
    %dma_start3A_47 = tpu.memref_squeeze %dma_start3A_46 : memref<1x8192xf32, #tpu.memory_space<hbm>> -> memref<8192xf32, #tpu.memory_space<hbm>>
    tpu.enqueue_dma source(%dma_start3A_47 : memref<8192xf32, #tpu.memory_space<hbm>>) target(%arg7 : memref<8192xf32, #tpu.memory_space<vmem>>) target_semaphore(%arg16 : memref<!tpu.dma_semaphore, #tpu.memory_space<semaphore_mem>>)
    %dma_start3A_48 = arith.constant 16384 : i32
    %dma_start3A_49 = tpu.memref_slice %arg3[%add3A_41, %dma_start3A_48] : memref<128x32768xf32, #tpu.memory_space<hbm>> -> memref<1x8192xf32, #tpu.memory_space<hbm>>
    %dma_start3A_50 = tpu.memref_squeeze %dma_start3A_49 : memref<1x8192xf32, #tpu.memory_space<hbm>> -> memref<8192xf32, #tpu.memory_space<hbm>>
    %dma_start3A_51 = arith.constant 16384 : i32
    %dma_start3A_52 = tpu.memref_slice %arg3[%add3A_41, %dma_start3A_51] : memref<128x32768xf32, #tpu.memory_space<hbm>> -> memref<1x8192xf32, #tpu.memory_space<hbm>>
    %dma_start3A_53 = tpu.memref_squeeze %dma_start3A_52 : memref<1x8192xf32, #tpu.memory_space<hbm>> -> memref<8192xf32, #tpu.memory_space<hbm>>
    tpu.enqueue_dma source(%dma_start3A_53 : memref<8192xf32, #tpu.memory_space<hbm>>) target(%arg11 : memref<8192xf32, #tpu.memory_space<vmem>>) target_semaphore(%arg20 : memref<!tpu.dma_semaphore, #tpu.memory_space<semaphore_mem>>)
    %mul3A_54 = arith.constant 1 : i32
    %mul3A_55 = arith.muli %add3A, %mul3A_54 : i32
    %add3A_56 = arith.constant 96 : i32
    %add3A_57 = arith.addi %add3A_56, %mul3A_55 : i32
    %add3A_58 = arith.constant 0 : i32
    %add3A_59 = arith.addi %add3A_57, %add3A_58 : i32
    %dma_start3A_60 = arith.constant 24576 : i32
    %dma_start3A_61 = tpu.memref_slice %arg2[%add3A_59, %dma_start3A_60] : memref<128x32768xf32, #tpu.memory_space<hbm>> -> memref<1x8192xf32, #tpu.memory_space<hbm>>
    %dma_start3A_62 = tpu.memref_squeeze %dma_start3A_61 : memref<1x8192xf32, #tpu.memory_space<hbm>> -> memref<8192xf32, #tpu.memory_space<hbm>>
    %dma_start3A_63 = arith.constant 24576 : i32
    %dma_start3A_64 = tpu.memref_slice %arg2[%add3A_59, %dma_start3A_63] : memref<128x32768xf32, #tpu.memory_space<hbm>> -> memref<1x8192xf32, #tpu.memory_space<hbm>>
    %dma_start3A_65 = tpu.memref_squeeze %dma_start3A_64 : memref<1x8192xf32, #tpu.memory_space<hbm>> -> memref<8192xf32, #tpu.memory_space<hbm>>
    tpu.enqueue_dma source(%dma_start3A_65 : memref<8192xf32, #tpu.memory_space<hbm>>) target(%arg8 : memref<8192xf32, #tpu.memory_space<vmem>>) target_semaphore(%arg17 : memref<!tpu.dma_semaphore, #tpu.memory_space<semaphore_mem>>)
    %dma_start3A_66 = arith.constant 24576 : i32
    %dma_start3A_67 = tpu.memref_slice %arg3[%add3A_59, %dma_start3A_66] : memref<128x32768xf32, #tpu.memory_space<hbm>> -> memref<1x8192xf32, #tpu.memory_space<hbm>>
    %dma_start3A_68 = tpu.memref_squeeze %dma_start3A_67 : memref<1x8192xf32, #tpu.memory_space<hbm>> -> memref<8192xf32, #tpu.memory_space<hbm>>
    %dma_start3A_69 = arith.constant 24576 : i32
    %dma_start3A_70 = tpu.memref_slice %arg3[%add3A_59, %dma_start3A_69] : memref<128x32768xf32, #tpu.memory_space<hbm>> -> memref<1x8192xf32, #tpu.memory_space<hbm>>
    %dma_start3A_71 = tpu.memref_squeeze %dma_start3A_70 : memref<1x8192xf32, #tpu.memory_space<hbm>> -> memref<8192xf32, #tpu.memory_space<hbm>>
    tpu.enqueue_dma source(%dma_start3A_71 : memref<8192xf32, #tpu.memory_space<hbm>>) target(%arg12 : memref<8192xf32, #tpu.memory_space<vmem>>) target_semaphore(%arg21 : memref<!tpu.dma_semaphore, #tpu.memory_space<semaphore_mem>>)
    %broadcast_in_dim3A = arith.constant 0.000000e+00 : f32
    %broadcast_in_dim3A_72 = vector.broadcast %broadcast_in_dim3A : f32 to vector<16xf32>
    %broadcast_in_dim3A_73 = arith.constant 0.000000e+00 : f32
    %broadcast_in_dim3A_74 = vector.broadcast %broadcast_in_dim3A_73 : f32 to vector<16xf32>
    %broadcast_in_dim3A_75 = arith.constant 0.000000e+00 : f32
    %broadcast_in_dim3A_76 = vector.broadcast %broadcast_in_dim3A_75 : f32 to vector<16xf32>
    %broadcast_in_dim3A_77 = arith.constant 0.000000e+00 : f32
    %broadcast_in_dim3A_78 = vector.broadcast %broadcast_in_dim3A_77 : f32 to vector<16xf32>
    %broadcast_in_dim3A_79 = arith.constant 0.000000e+00 : f32
    %broadcast_in_dim3A_80 = vector.broadcast %broadcast_in_dim3A_79 : f32 to vector<16xf32>
    %broadcast_in_dim3A_81 = arith.constant 0.000000e+00 : f32
    %broadcast_in_dim3A_82 = vector.broadcast %broadcast_in_dim3A_81 : f32 to vector<16xf32>
    %broadcast_in_dim3A_83 = arith.constant 0.000000e+00 : f32
    %broadcast_in_dim3A_84 = vector.broadcast %broadcast_in_dim3A_83 : f32 to vector<16xf32>
    %broadcast_in_dim3A_85 = arith.constant 0.000000e+00 : f32
    %broadcast_in_dim3A_86 = vector.broadcast %broadcast_in_dim3A_85 : f32 to vector<16xf32>
    %broadcast_in_dim3A_87 = arith.constant 0.000000e+00 : f32
    %broadcast_in_dim3A_88 = vector.broadcast %broadcast_in_dim3A_87 : f32 to vector<16xf32>
    %broadcast_in_dim3A_89 = arith.constant 0.000000e+00 : f32
    %broadcast_in_dim3A_90 = vector.broadcast %broadcast_in_dim3A_89 : f32 to vector<16xf32>
    %broadcast_in_dim3A_91 = arith.constant 0.000000e+00 : f32
    %broadcast_in_dim3A_92 = vector.broadcast %broadcast_in_dim3A_91 : f32 to vector<16xf32>
    %broadcast_in_dim3A_93 = arith.constant 0.000000e+00 : f32
    %broadcast_in_dim3A_94 = vector.broadcast %broadcast_in_dim3A_93 : f32 to vector<16xf32>
    %broadcast_in_dim3A_95 = arith.constant 0.000000e+00 : f32
    %broadcast_in_dim3A_96 = vector.broadcast %broadcast_in_dim3A_95 : f32 to vector<16xf32>
    %broadcast_in_dim3A_97 = arith.constant 0.000000e+00 : f32
    %broadcast_in_dim3A_98 = vector.broadcast %broadcast_in_dim3A_97 : f32 to vector<16xf32>
    %broadcast_in_dim3A_99 = arith.constant 0.000000e+00 : f32
    %broadcast_in_dim3A_100 = vector.broadcast %broadcast_in_dim3A_99 : f32 to vector<16xf32>
    %broadcast_in_dim3A_101 = arith.constant 0.000000e+00 : f32
    %broadcast_in_dim3A_102 = vector.broadcast %broadcast_in_dim3A_101 : f32 to vector<16xf32>
    %dma_wait3A = arith.constant 0 : i32
    %dma_wait3A_103 = tpu.memref_slice %arg2[%add3A_6, %dma_wait3A] : memref<128x32768xf32, #tpu.memory_space<hbm>> -> memref<1x8192xf32, #tpu.memory_space<hbm>>
    %dma_wait3A_104 = tpu.memref_squeeze %dma_wait3A_103 : memref<1x8192xf32, #tpu.memory_space<hbm>> -> memref<8192xf32, #tpu.memory_space<hbm>>
    %dma_wait3A_105 = arith.constant 0 : i32
    %dma_wait3A_106 = tpu.memref_slice %arg2[%add3A_6, %dma_wait3A_105] : memref<128x32768xf32, #tpu.memory_space<hbm>> -> memref<1x8192xf32, #tpu.memory_space<hbm>>
    %dma_wait3A_107 = tpu.memref_squeeze %dma_wait3A_106 : memref<1x8192xf32, #tpu.memory_space<hbm>> -> memref<8192xf32, #tpu.memory_space<hbm>>
    tpu.wait_dma2 semaphore(%arg14 : memref<!tpu.dma_semaphore, #tpu.memory_space<semaphore_mem>>) src(%dma_wait3A_107 : memref<8192xf32, #tpu.memory_space<hbm>>) dst(%arg5 : memref<8192xf32, #tpu.memory_space<vmem>>)
    %dma_wait3A_108 = arith.constant 0 : i32
    %dma_wait3A_109 = tpu.memref_slice %arg3[%add3A_6, %dma_wait3A_108] : memref<128x32768xf32, #tpu.memory_space<hbm>> -> memref<1x8192xf32, #tpu.memory_space<hbm>>
    %dma_wait3A_110 = tpu.memref_squeeze %dma_wait3A_109 : memref<1x8192xf32, #tpu.memory_space<hbm>> -> memref<8192xf32, #tpu.memory_space<hbm>>
    %dma_wait3A_111 = arith.constant 0 : i32
    %dma_wait3A_112 = tpu.memref_slice %arg3[%add3A_6, %dma_wait3A_111] : memref<128x32768xf32, #tpu.memory_space<hbm>> -> memref<1x8192xf32, #tpu.memory_space<hbm>>
    %dma_wait3A_113 = tpu.memref_squeeze %dma_wait3A_112 : memref<1x8192xf32, #tpu.memory_space<hbm>> -> memref<8192xf32, #tpu.memory_space<hbm>>
    tpu.wait_dma2 semaphore(%arg18 : memref<!tpu.dma_semaphore, #tpu.memory_space<semaphore_mem>>) src(%dma_wait3A_113 : memref<8192xf32, #tpu.memory_space<hbm>>) dst(%arg9 : memref<8192xf32, #tpu.memory_space<vmem>>)
    %scan3A = arith.constant 0 : i32
    %scan3A_114 = arith.constant 32 : i32
    %scan3A_115 = arith.addi %scan3A, %scan3A_114 : i32
    %scan3A_116 = arith.constant 1 : i32
    %scan3A_117:16 = scf.for %scan3A_225 = %scan3A to %scan3A_115 step %scan3A_116 iter_args(%scan3A_226 = %broadcast_in_dim3A_72, %scan3A_227 = %broadcast_in_dim3A_74, %scan3A_228 = %broadcast_in_dim3A_76, %scan3A_229 = %broadcast_in_dim3A_78, %scan3A_230 = %broadcast_in_dim3A_80, %scan3A_231 = %broadcast_in_dim3A_82, %scan3A_232 = %broadcast_in_dim3A_84, %scan3A_233 = %broadcast_in_dim3A_86, %scan3A_234 = %broadcast_in_dim3A_88, %scan3A_235 = %broadcast_in_dim3A_90, %scan3A_236 = %broadcast_in_dim3A_92, %scan3A_237 = %broadcast_in_dim3A_94, %scan3A_238 = %broadcast_in_dim3A_96, %scan3A_239 = %broadcast_in_dim3A_98, %scan3A_240 = %broadcast_in_dim3A_100, %scan3A_241 = %broadcast_in_dim3A_102) -> (vector<16xf32>, vector<16xf32>, vector<16xf32>, vector<16xf32>, vector<16xf32>, vector<16xf32>, vector<16xf32>, vector<16xf32>, vector<16xf32>, vector<16xf32>, vector<16xf32>, vector<16xf32>, vector<16xf32>, vector<16xf32>, vector<16xf32>, vector<16xf32>)  : i32 {
      %mul3A_242 = arith.constant 256 : i32
      %mul3A_243 = arith.muli %scan3A_225, %mul3A_242 : i32
      %add3A_244 = arith.constant 0 : i32
      %add3A_245 = arith.addi %mul3A_243, %add3A_244 : i32
      %get3A = arith.index_cast %add3A_245 : i32 to index
      %get3A_246 = tpu.vector_load %arg5[%get3A] {strides = array<i32>} : memref<8192xf32, #tpu.memory_space<vmem>>, vector<16xf32>,
      %get3A_247 = vector.shape_cast %get3A_246 : vector<16xf32> to vector<16xf32>
      %add3A_248 = arith.constant 0 : i32
      %add3A_249 = arith.addi %mul3A_243, %add3A_248 : i32
      %get3A_250 = arith.index_cast %add3A_249 : i32 to index
      %get3A_251 = tpu.vector_load %arg9[%get3A_250] {strides = array<i32>} : memref<8192xf32, #tpu.memory_space<vmem>>, vector<16xf32>,
      %get3A_252 = vector.shape_cast %get3A_251 : vector<16xf32> to vector<16xf32>
      %sub3A = arith.subf %get3A_247, %get3A_252 : vector<16xf32>
      %mul3A_253 = arith.mulf %sub3A, %sub3A : vector<16xf32>
      %add3A_254 = arith.addf %scan3A_226, %mul3A_253 : vector<16xf32>
      %add3A_255 = arith.constant 16 : i32
      %add3A_256 = arith.addi %mul3A_243, %add3A_255 : i32
      %get3A_257 = arith.index_cast %add3A_256 : i32 to index
      %get3A_258 = tpu.vector_load %arg5[%get3A_257] {strides = array<i32>} : memref<8192xf32, #tpu.memory_space<vmem>>, vector<16xf32>,
      %get3A_259 = vector.shape_cast %get3A_258 : vector<16xf32> to vector<16xf32>
      %add3A_260 = arith.constant 16 : i32
      %add3A_261 = arith.addi %mul3A_243, %add3A_260 : i32
      %get3A_262 = arith.index_cast %add3A_261 : i32 to index
      %get3A_263 = tpu.vector_load %arg9[%get3A_262] {strides = array<i32>} : memref<8192xf32, #tpu.memory_space<vmem>>, vector<16xf32>,
      %get3A_264 = vector.shape_cast %get3A_263 : vector<16xf32> to vector<16xf32>
      %sub3A_265 = arith.subf %get3A_259, %get3A_264 : vector<16xf32>
      %mul3A_266 = arith.mulf %sub3A_265, %sub3A_265 : vector<16xf32>
      %add3A_267 = arith.addf %scan3A_227, %mul3A_266 : vector<16xf32>
      %add3A_268 = arith.constant 32 : i32
      %add3A_269 = arith.addi %mul3A_243, %add3A_268 : i32
      %get3A_270 = arith.index_cast %add3A_269 : i32 to index
      %get3A_271 = tpu.vector_load %arg5[%get3A_270] {strides = array<i32>} : memref<8192xf32, #tpu.memory_space<vmem>>, vector<16xf32>,
      %get3A_272 = vector.shape_cast %get3A_271 : vector<16xf32> to vector<16xf32>
      %add3A_273 = arith.constant 32 : i32
      %add3A_274 = arith.addi %mul3A_243, %add3A_273 : i32
      %get3A_275 = arith.index_cast %add3A_274 : i32 to index
      %get3A_276 = tpu.vector_load %arg9[%get3A_275] {strides = array<i32>} : memref<8192xf32, #tpu.memory_space<vmem>>, vector<16xf32>,
      %get3A_277 = vector.shape_cast %get3A_276 : vector<16xf32> to vector<16xf32>
      %sub3A_278 = arith.subf %get3A_272, %get3A_277 : vector<16xf32>
      %mul3A_279 = arith.mulf %sub3A_278, %sub3A_278 : vector<16xf32>
      %add3A_280 = arith.addf %scan3A_228, %mul3A_279 : vector<16xf32>
      %add3A_281 = arith.constant 48 : i32
      %add3A_282 = arith.addi %mul3A_243, %add3A_281 : i32
      %get3A_283 = arith.index_cast %add3A_282 : i32 to index
      %get3A_284 = tpu.vector_load %arg5[%get3A_283] {strides = array<i32>} : memref<8192xf32, #tpu.memory_space<vmem>>, vector<16xf32>,
      %get3A_285 = vector.shape_cast %get3A_284 : vector<16xf32> to vector<16xf32>
      %add3A_286 = arith.constant 48 : i32
      %add3A_287 = arith.addi %mul3A_243, %add3A_286 : i32
      %get3A_288 = arith.index_cast %add3A_287 : i32 to index
      %get3A_289 = tpu.vector_load %arg9[%get3A_288] {strides = array<i32>} : memref<8192xf32, #tpu.memory_space<vmem>>, vector<16xf32>,
      %get3A_290 = vector.shape_cast %get3A_289 : vector<16xf32> to vector<16xf32>
      %sub3A_291 = arith.subf %get3A_285, %get3A_290 : vector<16xf32>
      %mul3A_292 = arith.mulf %sub3A_291, %sub3A_291 : vector<16xf32>
      %add3A_293 = arith.addf %scan3A_229, %mul3A_292 : vector<16xf32>
      %add3A_294 = arith.constant 64 : i32
      %add3A_295 = arith.addi %mul3A_243, %add3A_294 : i32
      %get3A_296 = arith.index_cast %add3A_295 : i32 to index
      %get3A_297 = tpu.vector_load %arg5[%get3A_296] {strides = array<i32>} : memref<8192xf32, #tpu.memory_space<vmem>>, vector<16xf32>,
      %get3A_298 = vector.shape_cast %get3A_297 : vector<16xf32> to vector<16xf32>
      %add3A_299 = arith.constant 64 : i32
      %add3A_300 = arith.addi %mul3A_243, %add3A_299 : i32
      %get3A_301 = arith.index_cast %add3A_300 : i32 to index
      %get3A_302 = tpu.vector_load %arg9[%get3A_301] {strides = array<i32>} : memref<8192xf32, #tpu.memory_space<vmem>>, vector<16xf32>,
      %get3A_303 = vector.shape_cast %get3A_302 : vector<16xf32> to vector<16xf32>
      %sub3A_304 = arith.subf %get3A_298, %get3A_303 : vector<16xf32>
      %mul3A_305 = arith.mulf %sub3A_304, %sub3A_304 : vector<16xf32>
      %add3A_306 = arith.addf %scan3A_230, %mul3A_305 : vector<16xf32>
      %add3A_307 = arith.constant 80 : i32
      %add3A_308 = arith.addi %mul3A_243, %add3A_307 : i32
      %get3A_309 = arith.index_cast %add3A_308 : i32 to index
      %get3A_310 = tpu.vector_load %arg5[%get3A_309] {strides = array<i32>} : memref<8192xf32, #tpu.memory_space<vmem>>, vector<16xf32>,
      %get3A_311 = vector.shape_cast %get3A_310 : vector<16xf32> to vector<16xf32>
      %add3A_312 = arith.constant 80 : i32
      %add3A_313 = arith.addi %mul3A_243, %add3A_312 : i32
      %get3A_314 = arith.index_cast %add3A_313 : i32 to index
      %get3A_315 = tpu.vector_load %arg9[%get3A_314] {strides = array<i32>} : memref<8192xf32, #tpu.memory_space<vmem>>, vector<16xf32>,
      %get3A_316 = vector.shape_cast %get3A_315 : vector<16xf32> to vector<16xf32>
      %sub3A_317 = arith.subf %get3A_311, %get3A_316 : vector<16xf32>
      %mul3A_318 = arith.mulf %sub3A_317, %sub3A_317 : vector<16xf32>
      %add3A_319 = arith.addf %scan3A_231, %mul3A_318 : vector<16xf32>
      %add3A_320 = arith.constant 96 : i32
      %add3A_321 = arith.addi %mul3A_243, %add3A_320 : i32
      %get3A_322 = arith.index_cast %add3A_321 : i32 to index
      %get3A_323 = tpu.vector_load %arg5[%get3A_322] {strides = array<i32>} : memref<8192xf32, #tpu.memory_space<vmem>>, vector<16xf32>,
      %get3A_324 = vector.shape_cast %get3A_323 : vector<16xf32> to vector<16xf32>
      %add3A_325 = arith.constant 96 : i32
      %add3A_326 = arith.addi %mul3A_243, %add3A_325 : i32
      %get3A_327 = arith.index_cast %add3A_326 : i32 to index
      %get3A_328 = tpu.vector_load %arg9[%get3A_327] {strides = array<i32>} : memref<8192xf32, #tpu.memory_space<vmem>>, vector<16xf32>,
      %get3A_329 = vector.shape_cast %get3A_328 : vector<16xf32> to vector<16xf32>
      %sub3A_330 = arith.subf %get3A_324, %get3A_329 : vector<16xf32>
      %mul3A_331 = arith.mulf %sub3A_330, %sub3A_330 : vector<16xf32>
      %add3A_332 = arith.addf %scan3A_232, %mul3A_331 : vector<16xf32>
      %add3A_333 = arith.constant 112 : i32
      %add3A_334 = arith.addi %mul3A_243, %add3A_333 : i32
      %get3A_335 = arith.index_cast %add3A_334 : i32 to index
      %get3A_336 = tpu.vector_load %arg5[%get3A_335] {strides = array<i32>} : memref<8192xf32, #tpu.memory_space<vmem>>, vector<16xf32>,
      %get3A_337 = vector.shape_cast %get3A_336 : vector<16xf32> to vector<16xf32>
      %add3A_338 = arith.constant 112 : i32
      %add3A_339 = arith.addi %mul3A_243, %add3A_338 : i32
      %get3A_340 = arith.index_cast %add3A_339 : i32 to index
      %get3A_341 = tpu.vector_load %arg9[%get3A_340] {strides = array<i32>} : memref<8192xf32, #tpu.memory_space<vmem>>, vector<16xf32>,
      %get3A_342 = vector.shape_cast %get3A_341 : vector<16xf32> to vector<16xf32>
      %sub3A_343 = arith.subf %get3A_337, %get3A_342 : vector<16xf32>
      %mul3A_344 = arith.mulf %sub3A_343, %sub3A_343 : vector<16xf32>
      %add3A_345 = arith.addf %scan3A_233, %mul3A_344 : vector<16xf32>
      %add3A_346 = arith.constant 128 : i32
      %add3A_347 = arith.addi %mul3A_243, %add3A_346 : i32
      %get3A_348 = arith.index_cast %add3A_347 : i32 to index
      %get3A_349 = tpu.vector_load %arg5[%get3A_348] {strides = array<i32>} : memref<8192xf32, #tpu.memory_space<vmem>>, vector<16xf32>,
      %get3A_350 = vector.shape_cast %get3A_349 : vector<16xf32> to vector<16xf32>
      %add3A_351 = arith.constant 128 : i32
      %add3A_352 = arith.addi %mul3A_243, %add3A_351 : i32
      %get3A_353 = arith.index_cast %add3A_352 : i32 to index
      %get3A_354 = tpu.vector_load %arg9[%get3A_353] {strides = array<i32>} : memref<8192xf32, #tpu.memory_space<vmem>>, vector<16xf32>,
      %get3A_355 = vector.shape_cast %get3A_354 : vector<16xf32> to vector<16xf32>
      %sub3A_356 = arith.subf %get3A_350, %get3A_355 : vector<16xf32>
      %mul3A_357 = arith.mulf %sub3A_356, %sub3A_356 : vector<16xf32>
      %add3A_358 = arith.addf %scan3A_234, %mul3A_357 : vector<16xf32>
      %add3A_359 = arith.constant 144 : i32
      %add3A_360 = arith.addi %mul3A_243, %add3A_359 : i32
      %get3A_361 = arith.index_cast %add3A_360 : i32 to index
      %get3A_362 = tpu.vector_load %arg5[%get3A_361] {strides = array<i32>} : memref<8192xf32, #tpu.memory_space<vmem>>, vector<16xf32>,
      %get3A_363 = vector.shape_cast %get3A_362 : vector<16xf32> to vector<16xf32>
      %add3A_364 = arith.constant 144 : i32
      %add3A_365 = arith.addi %mul3A_243, %add3A_364 : i32
      %get3A_366 = arith.index_cast %add3A_365 : i32 to index
      %get3A_367 = tpu.vector_load %arg9[%get3A_366] {strides = array<i32>} : memref<8192xf32, #tpu.memory_space<vmem>>, vector<16xf32>,
      %get3A_368 = vector.shape_cast %get3A_367 : vector<16xf32> to vector<16xf32>
      %sub3A_369 = arith.subf %get3A_363, %get3A_368 : vector<16xf32>
      %mul3A_370 = arith.mulf %sub3A_369, %sub3A_369 : vector<16xf32>
      %add3A_371 = arith.addf %scan3A_235, %mul3A_370 : vector<16xf32>
      %add3A_372 = arith.constant 160 : i32
      %add3A_373 = arith.addi %mul3A_243, %add3A_372 : i32
      %get3A_374 = arith.index_cast %add3A_373 : i32 to index
      %get3A_375 = tpu.vector_load %arg5[%get3A_374] {strides = array<i32>} : memref<8192xf32, #tpu.memory_space<vmem>>, vector<16xf32>,
      %get3A_376 = vector.shape_cast %get3A_375 : vector<16xf32> to vector<16xf32>
      %add3A_377 = arith.constant 160 : i32
      %add3A_378 = arith.addi %mul3A_243, %add3A_377 : i32
      %get3A_379 = arith.index_cast %add3A_378 : i32 to index
      %get3A_380 = tpu.vector_load %arg9[%get3A_379] {strides = array<i32>} : memref<8192xf32, #tpu.memory_space<vmem>>, vector<16xf32>,
      %get3A_381 = vector.shape_cast %get3A_380 : vector<16xf32> to vector<16xf32>
      %sub3A_382 = arith.subf %get3A_376, %get3A_381 : vector<16xf32>
      %mul3A_383 = arith.mulf %sub3A_382, %sub3A_382 : vector<16xf32>
      %add3A_384 = arith.addf %scan3A_236, %mul3A_383 : vector<16xf32>
      %add3A_385 = arith.constant 176 : i32
      %add3A_386 = arith.addi %mul3A_243, %add3A_385 : i32
      %get3A_387 = arith.index_cast %add3A_386 : i32 to index
      %get3A_388 = tpu.vector_load %arg5[%get3A_387] {strides = array<i32>} : memref<8192xf32, #tpu.memory_space<vmem>>, vector<16xf32>,
      %get3A_389 = vector.shape_cast %get3A_388 : vector<16xf32> to vector<16xf32>
      %add3A_390 = arith.constant 176 : i32
      %add3A_391 = arith.addi %mul3A_243, %add3A_390 : i32
      %get3A_392 = arith.index_cast %add3A_391 : i32 to index
      %get3A_393 = tpu.vector_load %arg9[%get3A_392] {strides = array<i32>} : memref<8192xf32, #tpu.memory_space<vmem>>, vector<16xf32>,
      %get3A_394 = vector.shape_cast %get3A_393 : vector<16xf32> to vector<16xf32>
      %sub3A_395 = arith.subf %get3A_389, %get3A_394 : vector<16xf32>
      %mul3A_396 = arith.mulf %sub3A_395, %sub3A_395 : vector<16xf32>
      %add3A_397 = arith.addf %scan3A_237, %mul3A_396 : vector<16xf32>
      %add3A_398 = arith.constant 192 : i32
      %add3A_399 = arith.addi %mul3A_243, %add3A_398 : i32
      %get3A_400 = arith.index_cast %add3A_399 : i32 to index
      %get3A_401 = tpu.vector_load %arg5[%get3A_400] {strides = array<i32>} : memref<8192xf32, #tpu.memory_space<vmem>>, vector<16xf32>,
      %get3A_402 = vector.shape_cast %get3A_401 : vector<16xf32> to vector<16xf32>
      %add3A_403 = arith.constant 192 : i32
      %add3A_404 = arith.addi %mul3A_243, %add3A_403 : i32
      %get3A_405 = arith.index_cast %add3A_404 : i32 to index
      %get3A_406 = tpu.vector_load %arg9[%get3A_405] {strides = array<i32>} : memref<8192xf32, #tpu.memory_space<vmem>>, vector<16xf32>,
      %get3A_407 = vector.shape_cast %get3A_406 : vector<16xf32> to vector<16xf32>
      %sub3A_408 = arith.subf %get3A_402, %get3A_407 : vector<16xf32>
      %mul3A_409 = arith.mulf %sub3A_408, %sub3A_408 : vector<16xf32>
      %add3A_410 = arith.addf %scan3A_238, %mul3A_409 : vector<16xf32>
      %add3A_411 = arith.constant 208 : i32
      %add3A_412 = arith.addi %mul3A_243, %add3A_411 : i32
      %get3A_413 = arith.index_cast %add3A_412 : i32 to index
      %get3A_414 = tpu.vector_load %arg5[%get3A_413] {strides = array<i32>} : memref<8192xf32, #tpu.memory_space<vmem>>, vector<16xf32>,
      %get3A_415 = vector.shape_cast %get3A_414 : vector<16xf32> to vector<16xf32>
      %add3A_416 = arith.constant 208 : i32
      %add3A_417 = arith.addi %mul3A_243, %add3A_416 : i32
      %get3A_418 = arith.index_cast %add3A_417 : i32 to index
      %get3A_419 = tpu.vector_load %arg9[%get3A_418] {strides = array<i32>} : memref<8192xf32, #tpu.memory_space<vmem>>, vector<16xf32>,
      %get3A_420 = vector.shape_cast %get3A_419 : vector<16xf32> to vector<16xf32>
      %sub3A_421 = arith.subf %get3A_415, %get3A_420 : vector<16xf32>
      %mul3A_422 = arith.mulf %sub3A_421, %sub3A_421 : vector<16xf32>
      %add3A_423 = arith.addf %scan3A_239, %mul3A_422 : vector<16xf32>
      %add3A_424 = arith.constant 224 : i32
      %add3A_425 = arith.addi %mul3A_243, %add3A_424 : i32
      %get3A_426 = arith.index_cast %add3A_425 : i32 to index
      %get3A_427 = tpu.vector_load %arg5[%get3A_426] {strides = array<i32>} : memref<8192xf32, #tpu.memory_space<vmem>>, vector<16xf32>,
      %get3A_428 = vector.shape_cast %get3A_427 : vector<16xf32> to vector<16xf32>
      %add3A_429 = arith.constant 224 : i32
      %add3A_430 = arith.addi %mul3A_243, %add3A_429 : i32
      %get3A_431 = arith.index_cast %add3A_430 : i32 to index
      %get3A_432 = tpu.vector_load %arg9[%get3A_431] {strides = array<i32>} : memref<8192xf32, #tpu.memory_space<vmem>>, vector<16xf32>,
      %get3A_433 = vector.shape_cast %get3A_432 : vector<16xf32> to vector<16xf32>
      %sub3A_434 = arith.subf %get3A_428, %get3A_433 : vector<16xf32>
      %mul3A_435 = arith.mulf %sub3A_434, %sub3A_434 : vector<16xf32>
      %add3A_436 = arith.addf %scan3A_240, %mul3A_435 : vector<16xf32>
      %add3A_437 = arith.constant 240 : i32
      %add3A_438 = arith.addi %mul3A_243, %add3A_437 : i32
      %get3A_439 = arith.index_cast %add3A_438 : i32 to index
      %get3A_440 = tpu.vector_load %arg5[%get3A_439] {strides = array<i32>} : memref<8192xf32, #tpu.memory_space<vmem>>, vector<16xf32>,
      %get3A_441 = vector.shape_cast %get3A_440 : vector<16xf32> to vector<16xf32>
      %add3A_442 = arith.constant 240 : i32
      %add3A_443 = arith.addi %mul3A_243, %add3A_442 : i32
      %get3A_444 = arith.index_cast %add3A_443 : i32 to index
      %get3A_445 = tpu.vector_load %arg9[%get3A_444] {strides = array<i32>} : memref<8192xf32, #tpu.memory_space<vmem>>, vector<16xf32>,
      %get3A_446 = vector.shape_cast %get3A_445 : vector<16xf32> to vector<16xf32>
      %sub3A_447 = arith.subf %get3A_441, %get3A_446 : vector<16xf32>
      %mul3A_448 = arith.mulf %sub3A_447, %sub3A_447 : vector<16xf32>
      %add3A_449 = arith.addf %scan3A_241, %mul3A_448 : vector<16xf32>
      scf.yield %add3A_254, %add3A_267, %add3A_280, %add3A_293, %add3A_306, %add3A_319, %add3A_332, %add3A_345, %add3A_358, %add3A_371, %add3A_384, %add3A_397, %add3A_410, %add3A_423, %add3A_436, %add3A_449 : vector<16xf32>, vector<16xf32>, vector<16xf32>, vector<16xf32>, vector<16xf32>, vector<16xf32>, vector<16xf32>, vector<16xf32>, vector<16xf32>, vector<16xf32>, vector<16xf32>, vector<16xf32>, vector<16xf32>, vector<16xf32>, vector<16xf32>, vector<16xf32>
    }
    %scan3A_118 = arith.constant 32 : i32
    %dma_wait3A_119 = arith.constant 8192 : i32
    %dma_wait3A_120 = tpu.memref_slice %arg2[%add3A_23, %dma_wait3A_119] : memref<128x32768xf32, #tpu.memory_space<hbm>> -> memref<1x8192xf32, #tpu.memory_space<hbm>>
    %dma_wait3A_121 = tpu.memref_squeeze %dma_wait3A_120 : memref<1x8192xf32, #tpu.memory_space<hbm>> -> memref<8192xf32, #tpu.memory_space<hbm>>
    %dma_wait3A_122 = arith.constant 8192 : i32
    %dma_wait3A_123 = tpu.memref_slice %arg2[%add3A_23, %dma_wait3A_122] : memref<128x32768xf32, #tpu.memory_space<hbm>> -> memref<1x8192xf32, #tpu.memory_space<hbm>>
    %dma_wait3A_124 = tpu.memref_squeeze %dma_wait3A_123 : memref<1x8192xf32, #tpu.memory_space<hbm>> -> memref<8192xf32, #tpu.memory_space<hbm>>
    tpu.wait_dma2 semaphore(%arg15 : memref<!tpu.dma_semaphore, #tpu.memory_space<semaphore_mem>>) src(%dma_wait3A_124 : memref<8192xf32, #tpu.memory_space<hbm>>) dst(%arg6 : memref<8192xf32, #tpu.memory_space<vmem>>)
    %dma_wait3A_125 = arith.constant 8192 : i32
    %dma_wait3A_126 = tpu.memref_slice %arg3[%add3A_23, %dma_wait3A_125] : memref<128x32768xf32, #tpu.memory_space<hbm>> -> memref<1x8192xf32, #tpu.memory_space<hbm>>
    %dma_wait3A_127 = tpu.memref_squeeze %dma_wait3A_126 : memref<1x8192xf32, #tpu.memory_space<hbm>> -> memref<8192xf32, #tpu.memory_space<hbm>>
    %dma_wait3A_128 = arith.constant 8192 : i32
    %dma_wait3A_129 = tpu.memref_slice %arg3[%add3A_23, %dma_wait3A_128] : memref<128x32768xf32, #tpu.memory_space<hbm>> -> memref<1x8192xf32, #tpu.memory_space<hbm>>
    %dma_wait3A_130 = tpu.memref_squeeze %dma_wait3A_129 : memref<1x8192xf32, #tpu.memory_space<hbm>> -> memref<8192xf32, #tpu.memory_space<hbm>>
    tpu.wait_dma2 semaphore(%arg19 : memref<!tpu.dma_semaphore, #tpu.memory_space<semaphore_mem>>) src(%dma_wait3A_130 : memref<8192xf32, #tpu.memory_space<hbm>>) dst(%arg10 : memref<8192xf32, #tpu.memory_space<vmem>>)
    %scan3A_131 = arith.constant 0 : i32
    %scan3A_132 = arith.constant 32 : i32
    %scan3A_133 = arith.addi %scan3A_131, %scan3A_132 : i32
    %scan3A_134 = arith.constant 1 : i32
    %scan3A_135:16 = scf.for %scan3A_225 = %scan3A_131 to %scan3A_133 step %scan3A_134 iter_args(%scan3A_226 = %scan3A_117#0, %scan3A_227 = %scan3A_117#1, %scan3A_228 = %scan3A_117#2, %scan3A_229 = %scan3A_117#3, %scan3A_230 = %scan3A_117#4, %scan3A_231 = %scan3A_117#5, %scan3A_232 = %scan3A_117#6, %scan3A_233 = %scan3A_117#7, %scan3A_234 = %scan3A_117#8, %scan3A_235 = %scan3A_117#9, %scan3A_236 = %scan3A_117#10, %scan3A_237 = %scan3A_117#11, %scan3A_238 = %scan3A_117#12, %scan3A_239 = %scan3A_117#13, %scan3A_240 = %scan3A_117#14, %scan3A_241 = %scan3A_117#15) -> (vector<16xf32>, vector<16xf32>, vector<16xf32>, vector<16xf32>, vector<16xf32>, vector<16xf32>, vector<16xf32>, vector<16xf32>, vector<16xf32>, vector<16xf32>, vector<16xf32>, vector<16xf32>, vector<16xf32>, vector<16xf32>, vector<16xf32>, vector<16xf32>)  : i32 {
      %mul3A_242 = arith.constant 256 : i32
      %mul3A_243 = arith.muli %scan3A_225, %mul3A_242 : i32
      %add3A_244 = arith.constant 0 : i32
      %add3A_245 = arith.addi %mul3A_243, %add3A_244 : i32
      %get3A = arith.index_cast %add3A_245 : i32 to index
      %get3A_246 = tpu.vector_load %arg6[%get3A] {strides = array<i32>} : memref<8192xf32, #tpu.memory_space<vmem>>, vector<16xf32>,
      %get3A_247 = vector.shape_cast %get3A_246 : vector<16xf32> to vector<16xf32>
      %add3A_248 = arith.constant 0 : i32
      %add3A_249 = arith.addi %mul3A_243, %add3A_248 : i32
      %get3A_250 = arith.index_cast %add3A_249 : i32 to index
      %get3A_251 = tpu.vector_load %arg10[%get3A_250] {strides = array<i32>} : memref<8192xf32, #tpu.memory_space<vmem>>, vector<16xf32>,
      %get3A_252 = vector.shape_cast %get3A_251 : vector<16xf32> to vector<16xf32>
      %sub3A = arith.subf %get3A_247, %get3A_252 : vector<16xf32>
      %mul3A_253 = arith.mulf %sub3A, %sub3A : vector<16xf32>
      %add3A_254 = arith.addf %scan3A_226, %mul3A_253 : vector<16xf32>
      %add3A_255 = arith.constant 16 : i32
      %add3A_256 = arith.addi %mul3A_243, %add3A_255 : i32
      %get3A_257 = arith.index_cast %add3A_256 : i32 to index
      %get3A_258 = tpu.vector_load %arg6[%get3A_257] {strides = array<i32>} : memref<8192xf32, #tpu.memory_space<vmem>>, vector<16xf32>,
      %get3A_259 = vector.shape_cast %get3A_258 : vector<16xf32> to vector<16xf32>
      %add3A_260 = arith.constant 16 : i32
      %add3A_261 = arith.addi %mul3A_243, %add3A_260 : i32
      %get3A_262 = arith.index_cast %add3A_261 : i32 to index
      %get3A_263 = tpu.vector_load %arg10[%get3A_262] {strides = array<i32>} : memref<8192xf32, #tpu.memory_space<vmem>>, vector<16xf32>,
      %get3A_264 = vector.shape_cast %get3A_263 : vector<16xf32> to vector<16xf32>
      %sub3A_265 = arith.subf %get3A_259, %get3A_264 : vector<16xf32>
      %mul3A_266 = arith.mulf %sub3A_265, %sub3A_265 : vector<16xf32>
      %add3A_267 = arith.addf %scan3A_227, %mul3A_266 : vector<16xf32>
      %add3A_268 = arith.constant 32 : i32
      %add3A_269 = arith.addi %mul3A_243, %add3A_268 : i32
      %get3A_270 = arith.index_cast %add3A_269 : i32 to index
      %get3A_271 = tpu.vector_load %arg6[%get3A_270] {strides = array<i32>} : memref<8192xf32, #tpu.memory_space<vmem>>, vector<16xf32>,
      %get3A_272 = vector.shape_cast %get3A_271 : vector<16xf32> to vector<16xf32>
      %add3A_273 = arith.constant 32 : i32
      %add3A_274 = arith.addi %mul3A_243, %add3A_273 : i32
      %get3A_275 = arith.index_cast %add3A_274 : i32 to index
      %get3A_276 = tpu.vector_load %arg10[%get3A_275] {strides = array<i32>} : memref<8192xf32, #tpu.memory_space<vmem>>, vector<16xf32>,
      %get3A_277 = vector.shape_cast %get3A_276 : vector<16xf32> to vector<16xf32>
      %sub3A_278 = arith.subf %get3A_272, %get3A_277 : vector<16xf32>
      %mul3A_279 = arith.mulf %sub3A_278, %sub3A_278 : vector<16xf32>
      %add3A_280 = arith.addf %scan3A_228, %mul3A_279 : vector<16xf32>
      %add3A_281 = arith.constant 48 : i32
      %add3A_282 = arith.addi %mul3A_243, %add3A_281 : i32
      %get3A_283 = arith.index_cast %add3A_282 : i32 to index
      %get3A_284 = tpu.vector_load %arg6[%get3A_283] {strides = array<i32>} : memref<8192xf32, #tpu.memory_space<vmem>>, vector<16xf32>,
      %get3A_285 = vector.shape_cast %get3A_284 : vector<16xf32> to vector<16xf32>
      %add3A_286 = arith.constant 48 : i32
      %add3A_287 = arith.addi %mul3A_243, %add3A_286 : i32
      %get3A_288 = arith.index_cast %add3A_287 : i32 to index
      %get3A_289 = tpu.vector_load %arg10[%get3A_288] {strides = array<i32>} : memref<8192xf32, #tpu.memory_space<vmem>>, vector<16xf32>,
      %get3A_290 = vector.shape_cast %get3A_289 : vector<16xf32> to vector<16xf32>
      %sub3A_291 = arith.subf %get3A_285, %get3A_290 : vector<16xf32>
      %mul3A_292 = arith.mulf %sub3A_291, %sub3A_291 : vector<16xf32>
      %add3A_293 = arith.addf %scan3A_229, %mul3A_292 : vector<16xf32>
      %add3A_294 = arith.constant 64 : i32
      %add3A_295 = arith.addi %mul3A_243, %add3A_294 : i32
      %get3A_296 = arith.index_cast %add3A_295 : i32 to index
      %get3A_297 = tpu.vector_load %arg6[%get3A_296] {strides = array<i32>} : memref<8192xf32, #tpu.memory_space<vmem>>, vector<16xf32>,
      %get3A_298 = vector.shape_cast %get3A_297 : vector<16xf32> to vector<16xf32>
      %add3A_299 = arith.constant 64 : i32
      %add3A_300 = arith.addi %mul3A_243, %add3A_299 : i32
      %get3A_301 = arith.index_cast %add3A_300 : i32 to index
      %get3A_302 = tpu.vector_load %arg10[%get3A_301] {strides = array<i32>} : memref<8192xf32, #tpu.memory_space<vmem>>, vector<16xf32>,
      %get3A_303 = vector.shape_cast %get3A_302 : vector<16xf32> to vector<16xf32>
      %sub3A_304 = arith.subf %get3A_298, %get3A_303 : vector<16xf32>
      %mul3A_305 = arith.mulf %sub3A_304, %sub3A_304 : vector<16xf32>
      %add3A_306 = arith.addf %scan3A_230, %mul3A_305 : vector<16xf32>
      %add3A_307 = arith.constant 80 : i32
      %add3A_308 = arith.addi %mul3A_243, %add3A_307 : i32
      %get3A_309 = arith.index_cast %add3A_308 : i32 to index
      %get3A_310 = tpu.vector_load %arg6[%get3A_309] {strides = array<i32>} : memref<8192xf32, #tpu.memory_space<vmem>>, vector<16xf32>,
      %get3A_311 = vector.shape_cast %get3A_310 : vector<16xf32> to vector<16xf32>
      %add3A_312 = arith.constant 80 : i32
      %add3A_313 = arith.addi %mul3A_243, %add3A_312 : i32
      %get3A_314 = arith.index_cast %add3A_313 : i32 to index
      %get3A_315 = tpu.vector_load %arg10[%get3A_314] {strides = array<i32>} : memref<8192xf32, #tpu.memory_space<vmem>>, vector<16xf32>,
      %get3A_316 = vector.shape_cast %get3A_315 : vector<16xf32> to vector<16xf32>
      %sub3A_317 = arith.subf %get3A_311, %get3A_316 : vector<16xf32>
      %mul3A_318 = arith.mulf %sub3A_317, %sub3A_317 : vector<16xf32>
      %add3A_319 = arith.addf %scan3A_231, %mul3A_318 : vector<16xf32>
      %add3A_320 = arith.constant 96 : i32
      %add3A_321 = arith.addi %mul3A_243, %add3A_320 : i32
      %get3A_322 = arith.index_cast %add3A_321 : i32 to index
      %get3A_323 = tpu.vector_load %arg6[%get3A_322] {strides = array<i32>} : memref<8192xf32, #tpu.memory_space<vmem>>, vector<16xf32>,
      %get3A_324 = vector.shape_cast %get3A_323 : vector<16xf32> to vector<16xf32>
      %add3A_325 = arith.constant 96 : i32
      %add3A_326 = arith.addi %mul3A_243, %add3A_325 : i32
      %get3A_327 = arith.index_cast %add3A_326 : i32 to index
      %get3A_328 = tpu.vector_load %arg10[%get3A_327] {strides = array<i32>} : memref<8192xf32, #tpu.memory_space<vmem>>, vector<16xf32>,
      %get3A_329 = vector.shape_cast %get3A_328 : vector<16xf32> to vector<16xf32>
      %sub3A_330 = arith.subf %get3A_324, %get3A_329 : vector<16xf32>
      %mul3A_331 = arith.mulf %sub3A_330, %sub3A_330 : vector<16xf32>
      %add3A_332 = arith.addf %scan3A_232, %mul3A_331 : vector<16xf32>
      %add3A_333 = arith.constant 112 : i32
      %add3A_334 = arith.addi %mul3A_243, %add3A_333 : i32
      %get3A_335 = arith.index_cast %add3A_334 : i32 to index
      %get3A_336 = tpu.vector_load %arg6[%get3A_335] {strides = array<i32>} : memref<8192xf32, #tpu.memory_space<vmem>>, vector<16xf32>,
      %get3A_337 = vector.shape_cast %get3A_336 : vector<16xf32> to vector<16xf32>
      %add3A_338 = arith.constant 112 : i32
      %add3A_339 = arith.addi %mul3A_243, %add3A_338 : i32
      %get3A_340 = arith.index_cast %add3A_339 : i32 to index
      %get3A_341 = tpu.vector_load %arg10[%get3A_340] {strides = array<i32>} : memref<8192xf32, #tpu.memory_space<vmem>>, vector<16xf32>,
      %get3A_342 = vector.shape_cast %get3A_341 : vector<16xf32> to vector<16xf32>
      %sub3A_343 = arith.subf %get3A_337, %get3A_342 : vector<16xf32>
      %mul3A_344 = arith.mulf %sub3A_343, %sub3A_343 : vector<16xf32>
      %add3A_345 = arith.addf %scan3A_233, %mul3A_344 : vector<16xf32>
      %add3A_346 = arith.constant 128 : i32
      %add3A_347 = arith.addi %mul3A_243, %add3A_346 : i32
      %get3A_348 = arith.index_cast %add3A_347 : i32 to index
      %get3A_349 = tpu.vector_load %arg6[%get3A_348] {strides = array<i32>} : memref<8192xf32, #tpu.memory_space<vmem>>, vector<16xf32>,
      %get3A_350 = vector.shape_cast %get3A_349 : vector<16xf32> to vector<16xf32>
      %add3A_351 = arith.constant 128 : i32
      %add3A_352 = arith.addi %mul3A_243, %add3A_351 : i32
      %get3A_353 = arith.index_cast %add3A_352 : i32 to index
      %get3A_354 = tpu.vector_load %arg10[%get3A_353] {strides = array<i32>} : memref<8192xf32, #tpu.memory_space<vmem>>, vector<16xf32>,
      %get3A_355 = vector.shape_cast %get3A_354 : vector<16xf32> to vector<16xf32>
      %sub3A_356 = arith.subf %get3A_350, %get3A_355 : vector<16xf32>
      %mul3A_357 = arith.mulf %sub3A_356, %sub3A_356 : vector<16xf32>
      %add3A_358 = arith.addf %scan3A_234, %mul3A_357 : vector<16xf32>
      %add3A_359 = arith.constant 144 : i32
      %add3A_360 = arith.addi %mul3A_243, %add3A_359 : i32
      %get3A_361 = arith.index_cast %add3A_360 : i32 to index
      %get3A_362 = tpu.vector_load %arg6[%get3A_361] {strides = array<i32>} : memref<8192xf32, #tpu.memory_space<vmem>>, vector<16xf32>,
      %get3A_363 = vector.shape_cast %get3A_362 : vector<16xf32> to vector<16xf32>
      %add3A_364 = arith.constant 144 : i32
      %add3A_365 = arith.addi %mul3A_243, %add3A_364 : i32
      %get3A_366 = arith.index_cast %add3A_365 : i32 to index
      %get3A_367 = tpu.vector_load %arg10[%get3A_366] {strides = array<i32>} : memref<8192xf32, #tpu.memory_space<vmem>>, vector<16xf32>,
      %get3A_368 = vector.shape_cast %get3A_367 : vector<16xf32> to vector<16xf32>
      %sub3A_369 = arith.subf %get3A_363, %get3A_368 : vector<16xf32>
      %mul3A_370 = arith.mulf %sub3A_369, %sub3A_369 : vector<16xf32>
      %add3A_371 = arith.addf %scan3A_235, %mul3A_370 : vector<16xf32>
      %add3A_372 = arith.constant 160 : i32
      %add3A_373 = arith.addi %mul3A_243, %add3A_372 : i32
      %get3A_374 = arith.index_cast %add3A_373 : i32 to index
      %get3A_375 = tpu.vector_load %arg6[%get3A_374] {strides = array<i32>} : memref<8192xf32, #tpu.memory_space<vmem>>, vector<16xf32>,
      %get3A_376 = vector.shape_cast %get3A_375 : vector<16xf32> to vector<16xf32>
      %add3A_377 = arith.constant 160 : i32
      %add3A_378 = arith.addi %mul3A_243, %add3A_377 : i32
      %get3A_379 = arith.index_cast %add3A_378 : i32 to index
      %get3A_380 = tpu.vector_load %arg10[%get3A_379] {strides = array<i32>} : memref<8192xf32, #tpu.memory_space<vmem>>, vector<16xf32>,
      %get3A_381 = vector.shape_cast %get3A_380 : vector<16xf32> to vector<16xf32>
      %sub3A_382 = arith.subf %get3A_376, %get3A_381 : vector<16xf32>
      %mul3A_383 = arith.mulf %sub3A_382, %sub3A_382 : vector<16xf32>
      %add3A_384 = arith.addf %scan3A_236, %mul3A_383 : vector<16xf32>
      %add3A_385 = arith.constant 176 : i32
      %add3A_386 = arith.addi %mul3A_243, %add3A_385 : i32
      %get3A_387 = arith.index_cast %add3A_386 : i32 to index
      %get3A_388 = tpu.vector_load %arg6[%get3A_387] {strides = array<i32>} : memref<8192xf32, #tpu.memory_space<vmem>>, vector<16xf32>,
      %get3A_389 = vector.shape_cast %get3A_388 : vector<16xf32> to vector<16xf32>
      %add3A_390 = arith.constant 176 : i32
      %add3A_391 = arith.addi %mul3A_243, %add3A_390 : i32
      %get3A_392 = arith.index_cast %add3A_391 : i32 to index
      %get3A_393 = tpu.vector_load %arg10[%get3A_392] {strides = array<i32>} : memref<8192xf32, #tpu.memory_space<vmem>>, vector<16xf32>,
      %get3A_394 = vector.shape_cast %get3A_393 : vector<16xf32> to vector<16xf32>
      %sub3A_395 = arith.subf %get3A_389, %get3A_394 : vector<16xf32>
      %mul3A_396 = arith.mulf %sub3A_395, %sub3A_395 : vector<16xf32>
      %add3A_397 = arith.addf %scan3A_237, %mul3A_396 : vector<16xf32>
      %add3A_398 = arith.constant 192 : i32
      %add3A_399 = arith.addi %mul3A_243, %add3A_398 : i32
      %get3A_400 = arith.index_cast %add3A_399 : i32 to index
      %get3A_401 = tpu.vector_load %arg6[%get3A_400] {strides = array<i32>} : memref<8192xf32, #tpu.memory_space<vmem>>, vector<16xf32>,
      %get3A_402 = vector.shape_cast %get3A_401 : vector<16xf32> to vector<16xf32>
      %add3A_403 = arith.constant 192 : i32
      %add3A_404 = arith.addi %mul3A_243, %add3A_403 : i32
      %get3A_405 = arith.index_cast %add3A_404 : i32 to index
      %get3A_406 = tpu.vector_load %arg10[%get3A_405] {strides = array<i32>} : memref<8192xf32, #tpu.memory_space<vmem>>, vector<16xf32>,
      %get3A_407 = vector.shape_cast %get3A_406 : vector<16xf32> to vector<16xf32>
      %sub3A_408 = arith.subf %get3A_402, %get3A_407 : vector<16xf32>
      %mul3A_409 = arith.mulf %sub3A_408, %sub3A_408 : vector<16xf32>
      %add3A_410 = arith.addf %scan3A_238, %mul3A_409 : vector<16xf32>
      %add3A_411 = arith.constant 208 : i32
      %add3A_412 = arith.addi %mul3A_243, %add3A_411 : i32
      %get3A_413 = arith.index_cast %add3A_412 : i32 to index
      %get3A_414 = tpu.vector_load %arg6[%get3A_413] {strides = array<i32>} : memref<8192xf32, #tpu.memory_space<vmem>>, vector<16xf32>,
      %get3A_415 = vector.shape_cast %get3A_414 : vector<16xf32> to vector<16xf32>
      %add3A_416 = arith.constant 208 : i32
      %add3A_417 = arith.addi %mul3A_243, %add3A_416 : i32
      %get3A_418 = arith.index_cast %add3A_417 : i32 to index
      %get3A_419 = tpu.vector_load %arg10[%get3A_418] {strides = array<i32>} : memref<8192xf32, #tpu.memory_space<vmem>>, vector<16xf32>,
      %get3A_420 = vector.shape_cast %get3A_419 : vector<16xf32> to vector<16xf32>
      %sub3A_421 = arith.subf %get3A_415, %get3A_420 : vector<16xf32>
      %mul3A_422 = arith.mulf %sub3A_421, %sub3A_421 : vector<16xf32>
      %add3A_423 = arith.addf %scan3A_239, %mul3A_422 : vector<16xf32>
      %add3A_424 = arith.constant 224 : i32
      %add3A_425 = arith.addi %mul3A_243, %add3A_424 : i32
      %get3A_426 = arith.index_cast %add3A_425 : i32 to index
      %get3A_427 = tpu.vector_load %arg6[%get3A_426] {strides = array<i32>} : memref<8192xf32, #tpu.memory_space<vmem>>, vector<16xf32>,
      %get3A_428 = vector.shape_cast %get3A_427 : vector<16xf32> to vector<16xf32>
      %add3A_429 = arith.constant 224 : i32
      %add3A_430 = arith.addi %mul3A_243, %add3A_429 : i32
      %get3A_431 = arith.index_cast %add3A_430 : i32 to index
      %get3A_432 = tpu.vector_load %arg10[%get3A_431] {strides = array<i32>} : memref<8192xf32, #tpu.memory_space<vmem>>, vector<16xf32>,
      %get3A_433 = vector.shape_cast %get3A_432 : vector<16xf32> to vector<16xf32>
      %sub3A_434 = arith.subf %get3A_428, %get3A_433 : vector<16xf32>
      %mul3A_435 = arith.mulf %sub3A_434, %sub3A_434 : vector<16xf32>
      %add3A_436 = arith.addf %scan3A_240, %mul3A_435 : vector<16xf32>
      %add3A_437 = arith.constant 240 : i32
      %add3A_438 = arith.addi %mul3A_243, %add3A_437 : i32
      %get3A_439 = arith.index_cast %add3A_438 : i32 to index
      %get3A_440 = tpu.vector_load %arg6[%get3A_439] {strides = array<i32>} : memref<8192xf32, #tpu.memory_space<vmem>>, vector<16xf32>,
      %get3A_441 = vector.shape_cast %get3A_440 : vector<16xf32> to vector<16xf32>
      %add3A_442 = arith.constant 240 : i32
      %add3A_443 = arith.addi %mul3A_243, %add3A_442 : i32
      %get3A_444 = arith.index_cast %add3A_443 : i32 to index
      %get3A_445 = tpu.vector_load %arg10[%get3A_444] {strides = array<i32>} : memref<8192xf32, #tpu.memory_space<vmem>>, vector<16xf32>,
      %get3A_446 = vector.shape_cast %get3A_445 : vector<16xf32> to vector<16xf32>
      %sub3A_447 = arith.subf %get3A_441, %get3A_446 : vector<16xf32>
      %mul3A_448 = arith.mulf %sub3A_447, %sub3A_447 : vector<16xf32>
      %add3A_449 = arith.addf %scan3A_241, %mul3A_448 : vector<16xf32>
      scf.yield %add3A_254, %add3A_267, %add3A_280, %add3A_293, %add3A_306, %add3A_319, %add3A_332, %add3A_345, %add3A_358, %add3A_371, %add3A_384, %add3A_397, %add3A_410, %add3A_423, %add3A_436, %add3A_449 : vector<16xf32>, vector<16xf32>, vector<16xf32>, vector<16xf32>, vector<16xf32>, vector<16xf32>, vector<16xf32>, vector<16xf32>, vector<16xf32>, vector<16xf32>, vector<16xf32>, vector<16xf32>, vector<16xf32>, vector<16xf32>, vector<16xf32>, vector<16xf32>
    }
    %scan3A_136 = arith.constant 32 : i32
    %dma_wait3A_137 = arith.constant 16384 : i32
    %dma_wait3A_138 = tpu.memref_slice %arg2[%add3A_41, %dma_wait3A_137] : memref<128x32768xf32, #tpu.memory_space<hbm>> -> memref<1x8192xf32, #tpu.memory_space<hbm>>
    %dma_wait3A_139 = tpu.memref_squeeze %dma_wait3A_138 : memref<1x8192xf32, #tpu.memory_space<hbm>> -> memref<8192xf32, #tpu.memory_space<hbm>>
    %dma_wait3A_140 = arith.constant 16384 : i32
    %dma_wait3A_141 = tpu.memref_slice %arg2[%add3A_41, %dma_wait3A_140] : memref<128x32768xf32, #tpu.memory_space<hbm>> -> memref<1x8192xf32, #tpu.memory_space<hbm>>
    %dma_wait3A_142 = tpu.memref_squeeze %dma_wait3A_141 : memref<1x8192xf32, #tpu.memory_space<hbm>> -> memref<8192xf32, #tpu.memory_space<hbm>>
    tpu.wait_dma2 semaphore(%arg16 : memref<!tpu.dma_semaphore, #tpu.memory_space<semaphore_mem>>) src(%dma_wait3A_142 : memref<8192xf32, #tpu.memory_space<hbm>>) dst(%arg7 : memref<8192xf32, #tpu.memory_space<vmem>>)
    %dma_wait3A_143 = arith.constant 16384 : i32
    %dma_wait3A_144 = tpu.memref_slice %arg3[%add3A_41, %dma_wait3A_143] : memref<128x32768xf32, #tpu.memory_space<hbm>> -> memref<1x8192xf32, #tpu.memory_space<hbm>>
    %dma_wait3A_145 = tpu.memref_squeeze %dma_wait3A_144 : memref<1x8192xf32, #tpu.memory_space<hbm>> -> memref<8192xf32, #tpu.memory_space<hbm>>
    %dma_wait3A_146 = arith.constant 16384 : i32
    %dma_wait3A_147 = tpu.memref_slice %arg3[%add3A_41, %dma_wait3A_146] : memref<128x32768xf32, #tpu.memory_space<hbm>> -> memref<1x8192xf32, #tpu.memory_space<hbm>>
    %dma_wait3A_148 = tpu.memref_squeeze %dma_wait3A_147 : memref<1x8192xf32, #tpu.memory_space<hbm>> -> memref<8192xf32, #tpu.memory_space<hbm>>
    tpu.wait_dma2 semaphore(%arg20 : memref<!tpu.dma_semaphore, #tpu.memory_space<semaphore_mem>>) src(%dma_wait3A_148 : memref<8192xf32, #tpu.memory_space<hbm>>) dst(%arg11 : memref<8192xf32, #tpu.memory_space<vmem>>)
    %scan3A_149 = arith.constant 0 : i32
    %scan3A_150 = arith.constant 32 : i32
    %scan3A_151 = arith.addi %scan3A_149, %scan3A_150 : i32
    %scan3A_152 = arith.constant 1 : i32
    %scan3A_153:16 = scf.for %scan3A_225 = %scan3A_149 to %scan3A_151 step %scan3A_152 iter_args(%scan3A_226 = %scan3A_135#0, %scan3A_227 = %scan3A_135#1, %scan3A_228 = %scan3A_135#2, %scan3A_229 = %scan3A_135#3, %scan3A_230 = %scan3A_135#4, %scan3A_231 = %scan3A_135#5, %scan3A_232 = %scan3A_135#6, %scan3A_233 = %scan3A_135#7, %scan3A_234 = %scan3A_135#8, %scan3A_235 = %scan3A_135#9, %scan3A_236 = %scan3A_135#10, %scan3A_237 = %scan3A_135#11, %scan3A_238 = %scan3A_135#12, %scan3A_239 = %scan3A_135#13, %scan3A_240 = %scan3A_135#14, %scan3A_241 = %scan3A_135#15) -> (vector<16xf32>, vector<16xf32>, vector<16xf32>, vector<16xf32>, vector<16xf32>, vector<16xf32>, vector<16xf32>, vector<16xf32>, vector<16xf32>, vector<16xf32>, vector<16xf32>, vector<16xf32>, vector<16xf32>, vector<16xf32>, vector<16xf32>, vector<16xf32>)  : i32 {
      %mul3A_242 = arith.constant 256 : i32
      %mul3A_243 = arith.muli %scan3A_225, %mul3A_242 : i32
      %add3A_244 = arith.constant 0 : i32
      %add3A_245 = arith.addi %mul3A_243, %add3A_244 : i32
      %get3A = arith.index_cast %add3A_245 : i32 to index
      %get3A_246 = tpu.vector_load %arg7[%get3A] {strides = array<i32>} : memref<8192xf32, #tpu.memory_space<vmem>>, vector<16xf32>,
      %get3A_247 = vector.shape_cast %get3A_246 : vector<16xf32> to vector<16xf32>
      %add3A_248 = arith.constant 0 : i32
      %add3A_249 = arith.addi %mul3A_243, %add3A_248 : i32
      %get3A_250 = arith.index_cast %add3A_249 : i32 to index
      %get3A_251 = tpu.vector_load %arg11[%get3A_250] {strides = array<i32>} : memref<8192xf32, #tpu.memory_space<vmem>>, vector<16xf32>,
      %get3A_252 = vector.shape_cast %get3A_251 : vector<16xf32> to vector<16xf32>
      %sub3A = arith.subf %get3A_247, %get3A_252 : vector<16xf32>
      %mul3A_253 = arith.mulf %sub3A, %sub3A : vector<16xf32>
      %add3A_254 = arith.addf %scan3A_226, %mul3A_253 : vector<16xf32>
      %add3A_255 = arith.constant 16 : i32
      %add3A_256 = arith.addi %mul3A_243, %add3A_255 : i32
      %get3A_257 = arith.index_cast %add3A_256 : i32 to index
      %get3A_258 = tpu.vector_load %arg7[%get3A_257] {strides = array<i32>} : memref<8192xf32, #tpu.memory_space<vmem>>, vector<16xf32>,
      %get3A_259 = vector.shape_cast %get3A_258 : vector<16xf32> to vector<16xf32>
      %add3A_260 = arith.constant 16 : i32
      %add3A_261 = arith.addi %mul3A_243, %add3A_260 : i32
      %get3A_262 = arith.index_cast %add3A_261 : i32 to index
      %get3A_263 = tpu.vector_load %arg11[%get3A_262] {strides = array<i32>} : memref<8192xf32, #tpu.memory_space<vmem>>, vector<16xf32>,
      %get3A_264 = vector.shape_cast %get3A_263 : vector<16xf32> to vector<16xf32>
      %sub3A_265 = arith.subf %get3A_259, %get3A_264 : vector<16xf32>
      %mul3A_266 = arith.mulf %sub3A_265, %sub3A_265 : vector<16xf32>
      %add3A_267 = arith.addf %scan3A_227, %mul3A_266 : vector<16xf32>
      %add3A_268 = arith.constant 32 : i32
      %add3A_269 = arith.addi %mul3A_243, %add3A_268 : i32
      %get3A_270 = arith.index_cast %add3A_269 : i32 to index
      %get3A_271 = tpu.vector_load %arg7[%get3A_270] {strides = array<i32>} : memref<8192xf32, #tpu.memory_space<vmem>>, vector<16xf32>,
      %get3A_272 = vector.shape_cast %get3A_271 : vector<16xf32> to vector<16xf32>
      %add3A_273 = arith.constant 32 : i32
      %add3A_274 = arith.addi %mul3A_243, %add3A_273 : i32
      %get3A_275 = arith.index_cast %add3A_274 : i32 to index
      %get3A_276 = tpu.vector_load %arg11[%get3A_275] {strides = array<i32>} : memref<8192xf32, #tpu.memory_space<vmem>>, vector<16xf32>,
      %get3A_277 = vector.shape_cast %get3A_276 : vector<16xf32> to vector<16xf32>
      %sub3A_278 = arith.subf %get3A_272, %get3A_277 : vector<16xf32>
      %mul3A_279 = arith.mulf %sub3A_278, %sub3A_278 : vector<16xf32>
      %add3A_280 = arith.addf %scan3A_228, %mul3A_279 : vector<16xf32>
      %add3A_281 = arith.constant 48 : i32
      %add3A_282 = arith.addi %mul3A_243, %add3A_281 : i32
      %get3A_283 = arith.index_cast %add3A_282 : i32 to index
      %get3A_284 = tpu.vector_load %arg7[%get3A_283] {strides = array<i32>} : memref<8192xf32, #tpu.memory_space<vmem>>, vector<16xf32>,
      %get3A_285 = vector.shape_cast %get3A_284 : vector<16xf32> to vector<16xf32>
      %add3A_286 = arith.constant 48 : i32
      %add3A_287 = arith.addi %mul3A_243, %add3A_286 : i32
      %get3A_288 = arith.index_cast %add3A_287 : i32 to index
      %get3A_289 = tpu.vector_load %arg11[%get3A_288] {strides = array<i32>} : memref<8192xf32, #tpu.memory_space<vmem>>, vector<16xf32>,
      %get3A_290 = vector.shape_cast %get3A_289 : vector<16xf32> to vector<16xf32>
      %sub3A_291 = arith.subf %get3A_285, %get3A_290 : vector<16xf32>
      %mul3A_292 = arith.mulf %sub3A_291, %sub3A_291 : vector<16xf32>
      %add3A_293 = arith.addf %scan3A_229, %mul3A_292 : vector<16xf32>
      %add3A_294 = arith.constant 64 : i32
      %add3A_295 = arith.addi %mul3A_243, %add3A_294 : i32
      %get3A_296 = arith.index_cast %add3A_295 : i32 to index
      %get3A_297 = tpu.vector_load %arg7[%get3A_296] {strides = array<i32>} : memref<8192xf32, #tpu.memory_space<vmem>>, vector<16xf32>,
      %get3A_298 = vector.shape_cast %get3A_297 : vector<16xf32> to vector<16xf32>
      %add3A_299 = arith.constant 64 : i32
      %add3A_300 = arith.addi %mul3A_243, %add3A_299 : i32
      %get3A_301 = arith.index_cast %add3A_300 : i32 to index
      %get3A_302 = tpu.vector_load %arg11[%get3A_301] {strides = array<i32>} : memref<8192xf32, #tpu.memory_space<vmem>>, vector<16xf32>,
      %get3A_303 = vector.shape_cast %get3A_302 : vector<16xf32> to vector<16xf32>
      %sub3A_304 = arith.subf %get3A_298, %get3A_303 : vector<16xf32>
      %mul3A_305 = arith.mulf %sub3A_304, %sub3A_304 : vector<16xf32>
      %add3A_306 = arith.addf %scan3A_230, %mul3A_305 : vector<16xf32>
      %add3A_307 = arith.constant 80 : i32
      %add3A_308 = arith.addi %mul3A_243, %add3A_307 : i32
      %get3A_309 = arith.index_cast %add3A_308 : i32 to index
      %get3A_310 = tpu.vector_load %arg7[%get3A_309] {strides = array<i32>} : memref<8192xf32, #tpu.memory_space<vmem>>, vector<16xf32>,
      %get3A_311 = vector.shape_cast %get3A_310 : vector<16xf32> to vector<16xf32>
      %add3A_312 = arith.constant 80 : i32
      %add3A_313 = arith.addi %mul3A_243, %add3A_312 : i32
      %get3A_314 = arith.index_cast %add3A_313 : i32 to index
      %get3A_315 = tpu.vector_load %arg11[%get3A_314] {strides = array<i32>} : memref<8192xf32, #tpu.memory_space<vmem>>, vector<16xf32>,
      %get3A_316 = vector.shape_cast %get3A_315 : vector<16xf32> to vector<16xf32>
      %sub3A_317 = arith.subf %get3A_311, %get3A_316 : vector<16xf32>
      %mul3A_318 = arith.mulf %sub3A_317, %sub3A_317 : vector<16xf32>
      %add3A_319 = arith.addf %scan3A_231, %mul3A_318 : vector<16xf32>
      %add3A_320 = arith.constant 96 : i32
      %add3A_321 = arith.addi %mul3A_243, %add3A_320 : i32
      %get3A_322 = arith.index_cast %add3A_321 : i32 to index
      %get3A_323 = tpu.vector_load %arg7[%get3A_322] {strides = array<i32>} : memref<8192xf32, #tpu.memory_space<vmem>>, vector<16xf32>,
      %get3A_324 = vector.shape_cast %get3A_323 : vector<16xf32> to vector<16xf32>
      %add3A_325 = arith.constant 96 : i32
      %add3A_326 = arith.addi %mul3A_243, %add3A_325 : i32
      %get3A_327 = arith.index_cast %add3A_326 : i32 to index
      %get3A_328 = tpu.vector_load %arg11[%get3A_327] {strides = array<i32>} : memref<8192xf32, #tpu.memory_space<vmem>>, vector<16xf32>,
      %get3A_329 = vector.shape_cast %get3A_328 : vector<16xf32> to vector<16xf32>
      %sub3A_330 = arith.subf %get3A_324, %get3A_329 : vector<16xf32>
      %mul3A_331 = arith.mulf %sub3A_330, %sub3A_330 : vector<16xf32>
      %add3A_332 = arith.addf %scan3A_232, %mul3A_331 : vector<16xf32>
      %add3A_333 = arith.constant 112 : i32
      %add3A_334 = arith.addi %mul3A_243, %add3A_333 : i32
      %get3A_335 = arith.index_cast %add3A_334 : i32 to index
      %get3A_336 = tpu.vector_load %arg7[%get3A_335] {strides = array<i32>} : memref<8192xf32, #tpu.memory_space<vmem>>, vector<16xf32>,
      %get3A_337 = vector.shape_cast %get3A_336 : vector<16xf32> to vector<16xf32>
      %add3A_338 = arith.constant 112 : i32
      %add3A_339 = arith.addi %mul3A_243, %add3A_338 : i32
      %get3A_340 = arith.index_cast %add3A_339 : i32 to index
      %get3A_341 = tpu.vector_load %arg11[%get3A_340] {strides = array<i32>} : memref<8192xf32, #tpu.memory_space<vmem>>, vector<16xf32>,
      %get3A_342 = vector.shape_cast %get3A_341 : vector<16xf32> to vector<16xf32>
      %sub3A_343 = arith.subf %get3A_337, %get3A_342 : vector<16xf32>
      %mul3A_344 = arith.mulf %sub3A_343, %sub3A_343 : vector<16xf32>
      %add3A_345 = arith.addf %scan3A_233, %mul3A_344 : vector<16xf32>
      %add3A_346 = arith.constant 128 : i32
      %add3A_347 = arith.addi %mul3A_243, %add3A_346 : i32
      %get3A_348 = arith.index_cast %add3A_347 : i32 to index
      %get3A_349 = tpu.vector_load %arg7[%get3A_348] {strides = array<i32>} : memref<8192xf32, #tpu.memory_space<vmem>>, vector<16xf32>,
      %get3A_350 = vector.shape_cast %get3A_349 : vector<16xf32> to vector<16xf32>
      %add3A_351 = arith.constant 128 : i32
      %add3A_352 = arith.addi %mul3A_243, %add3A_351 : i32
      %get3A_353 = arith.index_cast %add3A_352 : i32 to index
      %get3A_354 = tpu.vector_load %arg11[%get3A_353] {strides = array<i32>} : memref<8192xf32, #tpu.memory_space<vmem>>, vector<16xf32>,
      %get3A_355 = vector.shape_cast %get3A_354 : vector<16xf32> to vector<16xf32>
      %sub3A_356 = arith.subf %get3A_350, %get3A_355 : vector<16xf32>
      %mul3A_357 = arith.mulf %sub3A_356, %sub3A_356 : vector<16xf32>
      %add3A_358 = arith.addf %scan3A_234, %mul3A_357 : vector<16xf32>
      %add3A_359 = arith.constant 144 : i32
      %add3A_360 = arith.addi %mul3A_243, %add3A_359 : i32
      %get3A_361 = arith.index_cast %add3A_360 : i32 to index
      %get3A_362 = tpu.vector_load %arg7[%get3A_361] {strides = array<i32>} : memref<8192xf32, #tpu.memory_space<vmem>>, vector<16xf32>,
      %get3A_363 = vector.shape_cast %get3A_362 : vector<16xf32> to vector<16xf32>
      %add3A_364 = arith.constant 144 : i32
      %add3A_365 = arith.addi %mul3A_243, %add3A_364 : i32
      %get3A_366 = arith.index_cast %add3A_365 : i32 to index
      %get3A_367 = tpu.vector_load %arg11[%get3A_366] {strides = array<i32>} : memref<8192xf32, #tpu.memory_space<vmem>>, vector<16xf32>,
      %get3A_368 = vector.shape_cast %get3A_367 : vector<16xf32> to vector<16xf32>
      %sub3A_369 = arith.subf %get3A_363, %get3A_368 : vector<16xf32>
      %mul3A_370 = arith.mulf %sub3A_369, %sub3A_369 : vector<16xf32>
      %add3A_371 = arith.addf %scan3A_235, %mul3A_370 : vector<16xf32>
      %add3A_372 = arith.constant 160 : i32
      %add3A_373 = arith.addi %mul3A_243, %add3A_372 : i32
      %get3A_374 = arith.index_cast %add3A_373 : i32 to index
      %get3A_375 = tpu.vector_load %arg7[%get3A_374] {strides = array<i32>} : memref<8192xf32, #tpu.memory_space<vmem>>, vector<16xf32>,
      %get3A_376 = vector.shape_cast %get3A_375 : vector<16xf32> to vector<16xf32>
      %add3A_377 = arith.constant 160 : i32
      %add3A_378 = arith.addi %mul3A_243, %add3A_377 : i32
      %get3A_379 = arith.index_cast %add3A_378 : i32 to index
      %get3A_380 = tpu.vector_load %arg11[%get3A_379] {strides = array<i32>} : memref<8192xf32, #tpu.memory_space<vmem>>, vector<16xf32>,
      %get3A_381 = vector.shape_cast %get3A_380 : vector<16xf32> to vector<16xf32>
      %sub3A_382 = arith.subf %get3A_376, %get3A_381 : vector<16xf32>
      %mul3A_383 = arith.mulf %sub3A_382, %sub3A_382 : vector<16xf32>
      %add3A_384 = arith.addf %scan3A_236, %mul3A_383 : vector<16xf32>
      %add3A_385 = arith.constant 176 : i32
      %add3A_386 = arith.addi %mul3A_243, %add3A_385 : i32
      %get3A_387 = arith.index_cast %add3A_386 : i32 to index
      %get3A_388 = tpu.vector_load %arg7[%get3A_387] {strides = array<i32>} : memref<8192xf32, #tpu.memory_space<vmem>>, vector<16xf32>,
      %get3A_389 = vector.shape_cast %get3A_388 : vector<16xf32> to vector<16xf32>
      %add3A_390 = arith.constant 176 : i32
      %add3A_391 = arith.addi %mul3A_243, %add3A_390 : i32
      %get3A_392 = arith.index_cast %add3A_391 : i32 to index
      %get3A_393 = tpu.vector_load %arg11[%get3A_392] {strides = array<i32>} : memref<8192xf32, #tpu.memory_space<vmem>>, vector<16xf32>,
      %get3A_394 = vector.shape_cast %get3A_393 : vector<16xf32> to vector<16xf32>
      %sub3A_395 = arith.subf %get3A_389, %get3A_394 : vector<16xf32>
      %mul3A_396 = arith.mulf %sub3A_395, %sub3A_395 : vector<16xf32>
      %add3A_397 = arith.addf %scan3A_237, %mul3A_396 : vector<16xf32>
      %add3A_398 = arith.constant 192 : i32
      %add3A_399 = arith.addi %mul3A_243, %add3A_398 : i32
      %get3A_400 = arith.index_cast %add3A_399 : i32 to index
      %get3A_401 = tpu.vector_load %arg7[%get3A_400] {strides = array<i32>} : memref<8192xf32, #tpu.memory_space<vmem>>, vector<16xf32>,
      %get3A_402 = vector.shape_cast %get3A_401 : vector<16xf32> to vector<16xf32>
      %add3A_403 = arith.constant 192 : i32
      %add3A_404 = arith.addi %mul3A_243, %add3A_403 : i32
      %get3A_405 = arith.index_cast %add3A_404 : i32 to index
      %get3A_406 = tpu.vector_load %arg11[%get3A_405] {strides = array<i32>} : memref<8192xf32, #tpu.memory_space<vmem>>, vector<16xf32>,
      %get3A_407 = vector.shape_cast %get3A_406 : vector<16xf32> to vector<16xf32>
      %sub3A_408 = arith.subf %get3A_402, %get3A_407 : vector<16xf32>
      %mul3A_409 = arith.mulf %sub3A_408, %sub3A_408 : vector<16xf32>
      %add3A_410 = arith.addf %scan3A_238, %mul3A_409 : vector<16xf32>
      %add3A_411 = arith.constant 208 : i32
      %add3A_412 = arith.addi %mul3A_243, %add3A_411 : i32
      %get3A_413 = arith.index_cast %add3A_412 : i32 to index
      %get3A_414 = tpu.vector_load %arg7[%get3A_413] {strides = array<i32>} : memref<8192xf32, #tpu.memory_space<vmem>>, vector<16xf32>,
      %get3A_415 = vector.shape_cast %get3A_414 : vector<16xf32> to vector<16xf32>
      %add3A_416 = arith.constant 208 : i32
      %add3A_417 = arith.addi %mul3A_243, %add3A_416 : i32
      %get3A_418 = arith.index_cast %add3A_417 : i32 to index
      %get3A_419 = tpu.vector_load %arg11[%get3A_418] {strides = array<i32>} : memref<8192xf32, #tpu.memory_space<vmem>>, vector<16xf32>,
      %get3A_420 = vector.shape_cast %get3A_419 : vector<16xf32> to vector<16xf32>
      %sub3A_421 = arith.subf %get3A_415, %get3A_420 : vector<16xf32>
      %mul3A_422 = arith.mulf %sub3A_421, %sub3A_421 : vector<16xf32>
      %add3A_423 = arith.addf %scan3A_239, %mul3A_422 : vector<16xf32>
      %add3A_424 = arith.constant 224 : i32
      %add3A_425 = arith.addi %mul3A_243, %add3A_424 : i32
      %get3A_426 = arith.index_cast %add3A_425 : i32 to index
      %get3A_427 = tpu.vector_load %arg7[%get3A_426] {strides = array<i32>} : memref<8192xf32, #tpu.memory_space<vmem>>, vector<16xf32>,
      %get3A_428 = vector.shape_cast %get3A_427 : vector<16xf32> to vector<16xf32>
      %add3A_429 = arith.constant 224 : i32
      %add3A_430 = arith.addi %mul3A_243, %add3A_429 : i32
      %get3A_431 = arith.index_cast %add3A_430 : i32 to index
      %get3A_432 = tpu.vector_load %arg11[%get3A_431] {strides = array<i32>} : memref<8192xf32, #tpu.memory_space<vmem>>, vector<16xf32>,
      %get3A_433 = vector.shape_cast %get3A_432 : vector<16xf32> to vector<16xf32>
      %sub3A_434 = arith.subf %get3A_428, %get3A_433 : vector<16xf32>
      %mul3A_435 = arith.mulf %sub3A_434, %sub3A_434 : vector<16xf32>
      %add3A_436 = arith.addf %scan3A_240, %mul3A_435 : vector<16xf32>
      %add3A_437 = arith.constant 240 : i32
      %add3A_438 = arith.addi %mul3A_243, %add3A_437 : i32
      %get3A_439 = arith.index_cast %add3A_438 : i32 to index
      %get3A_440 = tpu.vector_load %arg7[%get3A_439] {strides = array<i32>} : memref<8192xf32, #tpu.memory_space<vmem>>, vector<16xf32>,
      %get3A_441 = vector.shape_cast %get3A_440 : vector<16xf32> to vector<16xf32>
      %add3A_442 = arith.constant 240 : i32
      %add3A_443 = arith.addi %mul3A_243, %add3A_442 : i32
      %get3A_444 = arith.index_cast %add3A_443 : i32 to index
      %get3A_445 = tpu.vector_load %arg11[%get3A_444] {strides = array<i32>} : memref<8192xf32, #tpu.memory_space<vmem>>, vector<16xf32>,
      %get3A_446 = vector.shape_cast %get3A_445 : vector<16xf32> to vector<16xf32>
      %sub3A_447 = arith.subf %get3A_441, %get3A_446 : vector<16xf32>
      %mul3A_448 = arith.mulf %sub3A_447, %sub3A_447 : vector<16xf32>
      %add3A_449 = arith.addf %scan3A_241, %mul3A_448 : vector<16xf32>
      scf.yield %add3A_254, %add3A_267, %add3A_280, %add3A_293, %add3A_306, %add3A_319, %add3A_332, %add3A_345, %add3A_358, %add3A_371, %add3A_384, %add3A_397, %add3A_410, %add3A_423, %add3A_436, %add3A_449 : vector<16xf32>, vector<16xf32>, vector<16xf32>, vector<16xf32>, vector<16xf32>, vector<16xf32>, vector<16xf32>, vector<16xf32>, vector<16xf32>, vector<16xf32>, vector<16xf32>, vector<16xf32>, vector<16xf32>, vector<16xf32>, vector<16xf32>, vector<16xf32>
    }
    %scan3A_154 = arith.constant 32 : i32
    %dma_wait3A_155 = arith.constant 24576 : i32
    %dma_wait3A_156 = tpu.memref_slice %arg2[%add3A_59, %dma_wait3A_155] : memref<128x32768xf32, #tpu.memory_space<hbm>> -> memref<1x8192xf32, #tpu.memory_space<hbm>>
    %dma_wait3A_157 = tpu.memref_squeeze %dma_wait3A_156 : memref<1x8192xf32, #tpu.memory_space<hbm>> -> memref<8192xf32, #tpu.memory_space<hbm>>
    %dma_wait3A_158 = arith.constant 24576 : i32
    %dma_wait3A_159 = tpu.memref_slice %arg2[%add3A_59, %dma_wait3A_158] : memref<128x32768xf32, #tpu.memory_space<hbm>> -> memref<1x8192xf32, #tpu.memory_space<hbm>>
    %dma_wait3A_160 = tpu.memref_squeeze %dma_wait3A_159 : memref<1x8192xf32, #tpu.memory_space<hbm>> -> memref<8192xf32, #tpu.memory_space<hbm>>
    tpu.wait_dma2 semaphore(%arg17 : memref<!tpu.dma_semaphore, #tpu.memory_space<semaphore_mem>>) src(%dma_wait3A_160 : memref<8192xf32, #tpu.memory_space<hbm>>) dst(%arg8 : memref<8192xf32, #tpu.memory_space<vmem>>)
    %dma_wait3A_161 = arith.constant 24576 : i32
    %dma_wait3A_162 = tpu.memref_slice %arg3[%add3A_59, %dma_wait3A_161] : memref<128x32768xf32, #tpu.memory_space<hbm>> -> memref<1x8192xf32, #tpu.memory_space<hbm>>
    %dma_wait3A_163 = tpu.memref_squeeze %dma_wait3A_162 : memref<1x8192xf32, #tpu.memory_space<hbm>> -> memref<8192xf32, #tpu.memory_space<hbm>>
    %dma_wait3A_164 = arith.constant 24576 : i32
    %dma_wait3A_165 = tpu.memref_slice %arg3[%add3A_59, %dma_wait3A_164] : memref<128x32768xf32, #tpu.memory_space<hbm>> -> memref<1x8192xf32, #tpu.memory_space<hbm>>
    %dma_wait3A_166 = tpu.memref_squeeze %dma_wait3A_165 : memref<1x8192xf32, #tpu.memory_space<hbm>> -> memref<8192xf32, #tpu.memory_space<hbm>>
    tpu.wait_dma2 semaphore(%arg21 : memref<!tpu.dma_semaphore, #tpu.memory_space<semaphore_mem>>) src(%dma_wait3A_166 : memref<8192xf32, #tpu.memory_space<hbm>>) dst(%arg12 : memref<8192xf32, #tpu.memory_space<vmem>>)
    %scan3A_167 = arith.constant 0 : i32
    %scan3A_168 = arith.constant 32 : i32
    %scan3A_169 = arith.addi %scan3A_167, %scan3A_168 : i32
    %scan3A_170 = arith.constant 1 : i32
    %scan3A_171:16 = scf.for %scan3A_225 = %scan3A_167 to %scan3A_169 step %scan3A_170 iter_args(%scan3A_226 = %scan3A_153#0, %scan3A_227 = %scan3A_153#1, %scan3A_228 = %scan3A_153#2, %scan3A_229 = %scan3A_153#3, %scan3A_230 = %scan3A_153#4, %scan3A_231 = %scan3A_153#5, %scan3A_232 = %scan3A_153#6, %scan3A_233 = %scan3A_153#7, %scan3A_234 = %scan3A_153#8, %scan3A_235 = %scan3A_153#9, %scan3A_236 = %scan3A_153#10, %scan3A_237 = %scan3A_153#11, %scan3A_238 = %scan3A_153#12, %scan3A_239 = %scan3A_153#13, %scan3A_240 = %scan3A_153#14, %scan3A_241 = %scan3A_153#15) -> (vector<16xf32>, vector<16xf32>, vector<16xf32>, vector<16xf32>, vector<16xf32>, vector<16xf32>, vector<16xf32>, vector<16xf32>, vector<16xf32>, vector<16xf32>, vector<16xf32>, vector<16xf32>, vector<16xf32>, vector<16xf32>, vector<16xf32>, vector<16xf32>)  : i32 {
      %mul3A_242 = arith.constant 256 : i32
      %mul3A_243 = arith.muli %scan3A_225, %mul3A_242 : i32
      %add3A_244 = arith.constant 0 : i32
      %add3A_245 = arith.addi %mul3A_243, %add3A_244 : i32
      %get3A = arith.index_cast %add3A_245 : i32 to index
      %get3A_246 = tpu.vector_load %arg8[%get3A] {strides = array<i32>} : memref<8192xf32, #tpu.memory_space<vmem>>, vector<16xf32>,
      %get3A_247 = vector.shape_cast %get3A_246 : vector<16xf32> to vector<16xf32>
      %add3A_248 = arith.constant 0 : i32
      %add3A_249 = arith.addi %mul3A_243, %add3A_248 : i32
      %get3A_250 = arith.index_cast %add3A_249 : i32 to index
      %get3A_251 = tpu.vector_load %arg12[%get3A_250] {strides = array<i32>} : memref<8192xf32, #tpu.memory_space<vmem>>, vector<16xf32>,
      %get3A_252 = vector.shape_cast %get3A_251 : vector<16xf32> to vector<16xf32>
      %sub3A = arith.subf %get3A_247, %get3A_252 : vector<16xf32>
      %mul3A_253 = arith.mulf %sub3A, %sub3A : vector<16xf32>
      %add3A_254 = arith.addf %scan3A_226, %mul3A_253 : vector<16xf32>
      %add3A_255 = arith.constant 16 : i32
      %add3A_256 = arith.addi %mul3A_243, %add3A_255 : i32
      %get3A_257 = arith.index_cast %add3A_256 : i32 to index
      %get3A_258 = tpu.vector_load %arg8[%get3A_257] {strides = array<i32>} : memref<8192xf32, #tpu.memory_space<vmem>>, vector<16xf32>,
      %get3A_259 = vector.shape_cast %get3A_258 : vector<16xf32> to vector<16xf32>
      %add3A_260 = arith.constant 16 : i32
      %add3A_261 = arith.addi %mul3A_243, %add3A_260 : i32
      %get3A_262 = arith.index_cast %add3A_261 : i32 to index
      %get3A_263 = tpu.vector_load %arg12[%get3A_262] {strides = array<i32>} : memref<8192xf32, #tpu.memory_space<vmem>>, vector<16xf32>,
      %get3A_264 = vector.shape_cast %get3A_263 : vector<16xf32> to vector<16xf32>
      %sub3A_265 = arith.subf %get3A_259, %get3A_264 : vector<16xf32>
      %mul3A_266 = arith.mulf %sub3A_265, %sub3A_265 : vector<16xf32>
      %add3A_267 = arith.addf %scan3A_227, %mul3A_266 : vector<16xf32>
      %add3A_268 = arith.constant 32 : i32
      %add3A_269 = arith.addi %mul3A_243, %add3A_268 : i32
      %get3A_270 = arith.index_cast %add3A_269 : i32 to index
      %get3A_271 = tpu.vector_load %arg8[%get3A_270] {strides = array<i32>} : memref<8192xf32, #tpu.memory_space<vmem>>, vector<16xf32>,
      %get3A_272 = vector.shape_cast %get3A_271 : vector<16xf32> to vector<16xf32>
      %add3A_273 = arith.constant 32 : i32
      %add3A_274 = arith.addi %mul3A_243, %add3A_273 : i32
      %get3A_275 = arith.index_cast %add3A_274 : i32 to index
      %get3A_276 = tpu.vector_load %arg12[%get3A_275] {strides = array<i32>} : memref<8192xf32, #tpu.memory_space<vmem>>, vector<16xf32>,
      %get3A_277 = vector.shape_cast %get3A_276 : vector<16xf32> to vector<16xf32>
      %sub3A_278 = arith.subf %get3A_272, %get3A_277 : vector<16xf32>
      %mul3A_279 = arith.mulf %sub3A_278, %sub3A_278 : vector<16xf32>
      %add3A_280 = arith.addf %scan3A_228, %mul3A_279 : vector<16xf32>
      %add3A_281 = arith.constant 48 : i32
      %add3A_282 = arith.addi %mul3A_243, %add3A_281 : i32
      %get3A_283 = arith.index_cast %add3A_282 : i32 to index
      %get3A_284 = tpu.vector_load %arg8[%get3A_283] {strides = array<i32>} : memref<8192xf32, #tpu.memory_space<vmem>>, vector<16xf32>,
      %get3A_285 = vector.shape_cast %get3A_284 : vector<16xf32> to vector<16xf32>
      %add3A_286 = arith.constant 48 : i32
      %add3A_287 = arith.addi %mul3A_243, %add3A_286 : i32
      %get3A_288 = arith.index_cast %add3A_287 : i32 to index
      %get3A_289 = tpu.vector_load %arg12[%get3A_288] {strides = array<i32>} : memref<8192xf32, #tpu.memory_space<vmem>>, vector<16xf32>,
      %get3A_290 = vector.shape_cast %get3A_289 : vector<16xf32> to vector<16xf32>
      %sub3A_291 = arith.subf %get3A_285, %get3A_290 : vector<16xf32>
      %mul3A_292 = arith.mulf %sub3A_291, %sub3A_291 : vector<16xf32>
      %add3A_293 = arith.addf %scan3A_229, %mul3A_292 : vector<16xf32>
      %add3A_294 = arith.constant 64 : i32
      %add3A_295 = arith.addi %mul3A_243, %add3A_294 : i32
      %get3A_296 = arith.index_cast %add3A_295 : i32 to index
      %get3A_297 = tpu.vector_load %arg8[%get3A_296] {strides = array<i32>} : memref<8192xf32, #tpu.memory_space<vmem>>, vector<16xf32>,
      %get3A_298 = vector.shape_cast %get3A_297 : vector<16xf32> to vector<16xf32>
      %add3A_299 = arith.constant 64 : i32
      %add3A_300 = arith.addi %mul3A_243, %add3A_299 : i32
      %get3A_301 = arith.index_cast %add3A_300 : i32 to index
      %get3A_302 = tpu.vector_load %arg12[%get3A_301] {strides = array<i32>} : memref<8192xf32, #tpu.memory_space<vmem>>, vector<16xf32>,
      %get3A_303 = vector.shape_cast %get3A_302 : vector<16xf32> to vector<16xf32>
      %sub3A_304 = arith.subf %get3A_298, %get3A_303 : vector<16xf32>
      %mul3A_305 = arith.mulf %sub3A_304, %sub3A_304 : vector<16xf32>
      %add3A_306 = arith.addf %scan3A_230, %mul3A_305 : vector<16xf32>
      %add3A_307 = arith.constant 80 : i32
      %add3A_308 = arith.addi %mul3A_243, %add3A_307 : i32
      %get3A_309 = arith.index_cast %add3A_308 : i32 to index
      %get3A_310 = tpu.vector_load %arg8[%get3A_309] {strides = array<i32>} : memref<8192xf32, #tpu.memory_space<vmem>>, vector<16xf32>,
      %get3A_311 = vector.shape_cast %get3A_310 : vector<16xf32> to vector<16xf32>
      %add3A_312 = arith.constant 80 : i32
      %add3A_313 = arith.addi %mul3A_243, %add3A_312 : i32
      %get3A_314 = arith.index_cast %add3A_313 : i32 to index
      %get3A_315 = tpu.vector_load %arg12[%get3A_314] {strides = array<i32>} : memref<8192xf32, #tpu.memory_space<vmem>>, vector<16xf32>,
      %get3A_316 = vector.shape_cast %get3A_315 : vector<16xf32> to vector<16xf32>
      %sub3A_317 = arith.subf %get3A_311, %get3A_316 : vector<16xf32>
      %mul3A_318 = arith.mulf %sub3A_317, %sub3A_317 : vector<16xf32>
      %add3A_319 = arith.addf %scan3A_231, %mul3A_318 : vector<16xf32>
      %add3A_320 = arith.constant 96 : i32
      %add3A_321 = arith.addi %mul3A_243, %add3A_320 : i32
      %get3A_322 = arith.index_cast %add3A_321 : i32 to index
      %get3A_323 = tpu.vector_load %arg8[%get3A_322] {strides = array<i32>} : memref<8192xf32, #tpu.memory_space<vmem>>, vector<16xf32>,
      %get3A_324 = vector.shape_cast %get3A_323 : vector<16xf32> to vector<16xf32>
      %add3A_325 = arith.constant 96 : i32
      %add3A_326 = arith.addi %mul3A_243, %add3A_325 : i32
      %get3A_327 = arith.index_cast %add3A_326 : i32 to index
      %get3A_328 = tpu.vector_load %arg12[%get3A_327] {strides = array<i32>} : memref<8192xf32, #tpu.memory_space<vmem>>, vector<16xf32>,
      %get3A_329 = vector.shape_cast %get3A_328 : vector<16xf32> to vector<16xf32>
      %sub3A_330 = arith.subf %get3A_324, %get3A_329 : vector<16xf32>
      %mul3A_331 = arith.mulf %sub3A_330, %sub3A_330 : vector<16xf32>
      %add3A_332 = arith.addf %scan3A_232, %mul3A_331 : vector<16xf32>
      %add3A_333 = arith.constant 112 : i32
      %add3A_334 = arith.addi %mul3A_243, %add3A_333 : i32
      %get3A_335 = arith.index_cast %add3A_334 : i32 to index
      %get3A_336 = tpu.vector_load %arg8[%get3A_335] {strides = array<i32>} : memref<8192xf32, #tpu.memory_space<vmem>>, vector<16xf32>,
      %get3A_337 = vector.shape_cast %get3A_336 : vector<16xf32> to vector<16xf32>
      %add3A_338 = arith.constant 112 : i32
      %add3A_339 = arith.addi %mul3A_243, %add3A_338 : i32
      %get3A_340 = arith.index_cast %add3A_339 : i32 to index
      %get3A_341 = tpu.vector_load %arg12[%get3A_340] {strides = array<i32>} : memref<8192xf32, #tpu.memory_space<vmem>>, vector<16xf32>,
      %get3A_342 = vector.shape_cast %get3A_341 : vector<16xf32> to vector<16xf32>
      %sub3A_343 = arith.subf %get3A_337, %get3A_342 : vector<16xf32>
      %mul3A_344 = arith.mulf %sub3A_343, %sub3A_343 : vector<16xf32>
      %add3A_345 = arith.addf %scan3A_233, %mul3A_344 : vector<16xf32>
      %add3A_346 = arith.constant 128 : i32
      %add3A_347 = arith.addi %mul3A_243, %add3A_346 : i32
      %get3A_348 = arith.index_cast %add3A_347 : i32 to index
      %get3A_349 = tpu.vector_load %arg8[%get3A_348] {strides = array<i32>} : memref<8192xf32, #tpu.memory_space<vmem>>, vector<16xf32>,
      %get3A_350 = vector.shape_cast %get3A_349 : vector<16xf32> to vector<16xf32>
      %add3A_351 = arith.constant 128 : i32
      %add3A_352 = arith.addi %mul3A_243, %add3A_351 : i32
      %get3A_353 = arith.index_cast %add3A_352 : i32 to index
      %get3A_354 = tpu.vector_load %arg12[%get3A_353] {strides = array<i32>} : memref<8192xf32, #tpu.memory_space<vmem>>, vector<16xf32>,
      %get3A_355 = vector.shape_cast %get3A_354 : vector<16xf32> to vector<16xf32>
      %sub3A_356 = arith.subf %get3A_350, %get3A_355 : vector<16xf32>
      %mul3A_357 = arith.mulf %sub3A_356, %sub3A_356 : vector<16xf32>
      %add3A_358 = arith.addf %scan3A_234, %mul3A_357 : vector<16xf32>
      %add3A_359 = arith.constant 144 : i32
      %add3A_360 = arith.addi %mul3A_243, %add3A_359 : i32
      %get3A_361 = arith.index_cast %add3A_360 : i32 to index
      %get3A_362 = tpu.vector_load %arg8[%get3A_361] {strides = array<i32>} : memref<8192xf32, #tpu.memory_space<vmem>>, vector<16xf32>,
      %get3A_363 = vector.shape_cast %get3A_362 : vector<16xf32> to vector<16xf32>
      %add3A_364 = arith.constant 144 : i32
      %add3A_365 = arith.addi %mul3A_243, %add3A_364 : i32
      %get3A_366 = arith.index_cast %add3A_365 : i32 to index
      %get3A_367 = tpu.vector_load %arg12[%get3A_366] {strides = array<i32>} : memref<8192xf32, #tpu.memory_space<vmem>>, vector<16xf32>,
      %get3A_368 = vector.shape_cast %get3A_367 : vector<16xf32> to vector<16xf32>
      %sub3A_369 = arith.subf %get3A_363, %get3A_368 : vector<16xf32>
      %mul3A_370 = arith.mulf %sub3A_369, %sub3A_369 : vector<16xf32>
      %add3A_371 = arith.addf %scan3A_235, %mul3A_370 : vector<16xf32>
      %add3A_372 = arith.constant 160 : i32
      %add3A_373 = arith.addi %mul3A_243, %add3A_372 : i32
      %get3A_374 = arith.index_cast %add3A_373 : i32 to index
      %get3A_375 = tpu.vector_load %arg8[%get3A_374] {strides = array<i32>} : memref<8192xf32, #tpu.memory_space<vmem>>, vector<16xf32>,
      %get3A_376 = vector.shape_cast %get3A_375 : vector<16xf32> to vector<16xf32>
      %add3A_377 = arith.constant 160 : i32
      %add3A_378 = arith.addi %mul3A_243, %add3A_377 : i32
      %get3A_379 = arith.index_cast %add3A_378 : i32 to index
      %get3A_380 = tpu.vector_load %arg12[%get3A_379] {strides = array<i32>} : memref<8192xf32, #tpu.memory_space<vmem>>, vector<16xf32>,
      %get3A_381 = vector.shape_cast %get3A_380 : vector<16xf32> to vector<16xf32>
      %sub3A_382 = arith.subf %get3A_376, %get3A_381 : vector<16xf32>
      %mul3A_383 = arith.mulf %sub3A_382, %sub3A_382 : vector<16xf32>
      %add3A_384 = arith.addf %scan3A_236, %mul3A_383 : vector<16xf32>
      %add3A_385 = arith.constant 176 : i32
      %add3A_386 = arith.addi %mul3A_243, %add3A_385 : i32
      %get3A_387 = arith.index_cast %add3A_386 : i32 to index
      %get3A_388 = tpu.vector_load %arg8[%get3A_387] {strides = array<i32>} : memref<8192xf32, #tpu.memory_space<vmem>>, vector<16xf32>,
      %get3A_389 = vector.shape_cast %get3A_388 : vector<16xf32> to vector<16xf32>
      %add3A_390 = arith.constant 176 : i32
      %add3A_391 = arith.addi %mul3A_243, %add3A_390 : i32
      %get3A_392 = arith.index_cast %add3A_391 : i32 to index
      %get3A_393 = tpu.vector_load %arg12[%get3A_392] {strides = array<i32>} : memref<8192xf32, #tpu.memory_space<vmem>>, vector<16xf32>,
      %get3A_394 = vector.shape_cast %get3A_393 : vector<16xf32> to vector<16xf32>
      %sub3A_395 = arith.subf %get3A_389, %get3A_394 : vector<16xf32>
      %mul3A_396 = arith.mulf %sub3A_395, %sub3A_395 : vector<16xf32>
      %add3A_397 = arith.addf %scan3A_237, %mul3A_396 : vector<16xf32>
      %add3A_398 = arith.constant 192 : i32
      %add3A_399 = arith.addi %mul3A_243, %add3A_398 : i32
      %get3A_400 = arith.index_cast %add3A_399 : i32 to index
      %get3A_401 = tpu.vector_load %arg8[%get3A_400] {strides = array<i32>} : memref<8192xf32, #tpu.memory_space<vmem>>, vector<16xf32>,
      %get3A_402 = vector.shape_cast %get3A_401 : vector<16xf32> to vector<16xf32>
      %add3A_403 = arith.constant 192 : i32
      %add3A_404 = arith.addi %mul3A_243, %add3A_403 : i32
      %get3A_405 = arith.index_cast %add3A_404 : i32 to index
      %get3A_406 = tpu.vector_load %arg12[%get3A_405] {strides = array<i32>} : memref<8192xf32, #tpu.memory_space<vmem>>, vector<16xf32>,
      %get3A_407 = vector.shape_cast %get3A_406 : vector<16xf32> to vector<16xf32>
      %sub3A_408 = arith.subf %get3A_402, %get3A_407 : vector<16xf32>
      %mul3A_409 = arith.mulf %sub3A_408, %sub3A_408 : vector<16xf32>
      %add3A_410 = arith.addf %scan3A_238, %mul3A_409 : vector<16xf32>
      %add3A_411 = arith.constant 208 : i32
      %add3A_412 = arith.addi %mul3A_243, %add3A_411 : i32
      %get3A_413 = arith.index_cast %add3A_412 : i32 to index
      %get3A_414 = tpu.vector_load %arg8[%get3A_413] {strides = array<i32>} : memref<8192xf32, #tpu.memory_space<vmem>>, vector<16xf32>,
      %get3A_415 = vector.shape_cast %get3A_414 : vector<16xf32> to vector<16xf32>
      %add3A_416 = arith.constant 208 : i32
      %add3A_417 = arith.addi %mul3A_243, %add3A_416 : i32
      %get3A_418 = arith.index_cast %add3A_417 : i32 to index
      %get3A_419 = tpu.vector_load %arg12[%get3A_418] {strides = array<i32>} : memref<8192xf32, #tpu.memory_space<vmem>>, vector<16xf32>,
      %get3A_420 = vector.shape_cast %get3A_419 : vector<16xf32> to vector<16xf32>
      %sub3A_421 = arith.subf %get3A_415, %get3A_420 : vector<16xf32>
      %mul3A_422 = arith.mulf %sub3A_421, %sub3A_421 : vector<16xf32>
      %add3A_423 = arith.addf %scan3A_239, %mul3A_422 : vector<16xf32>
      %add3A_424 = arith.constant 224 : i32
      %add3A_425 = arith.addi %mul3A_243, %add3A_424 : i32
      %get3A_426 = arith.index_cast %add3A_425 : i32 to index
      %get3A_427 = tpu.vector_load %arg8[%get3A_426] {strides = array<i32>} : memref<8192xf32, #tpu.memory_space<vmem>>, vector<16xf32>,
      %get3A_428 = vector.shape_cast %get3A_427 : vector<16xf32> to vector<16xf32>
      %add3A_429 = arith.constant 224 : i32
      %add3A_430 = arith.addi %mul3A_243, %add3A_429 : i32
      %get3A_431 = arith.index_cast %add3A_430 : i32 to index
      %get3A_432 = tpu.vector_load %arg12[%get3A_431] {strides = array<i32>} : memref<8192xf32, #tpu.memory_space<vmem>>, vector<16xf32>,
      %get3A_433 = vector.shape_cast %get3A_432 : vector<16xf32> to vector<16xf32>
      %sub3A_434 = arith.subf %get3A_428, %get3A_433 : vector<16xf32>
      %mul3A_435 = arith.mulf %sub3A_434, %sub3A_434 : vector<16xf32>
      %add3A_436 = arith.addf %scan3A_240, %mul3A_435 : vector<16xf32>
      %add3A_437 = arith.constant 240 : i32
      %add3A_438 = arith.addi %mul3A_243, %add3A_437 : i32
      %get3A_439 = arith.index_cast %add3A_438 : i32 to index
      %get3A_440 = tpu.vector_load %arg8[%get3A_439] {strides = array<i32>} : memref<8192xf32, #tpu.memory_space<vmem>>, vector<16xf32>,
      %get3A_441 = vector.shape_cast %get3A_440 : vector<16xf32> to vector<16xf32>
      %add3A_442 = arith.constant 240 : i32
      %add3A_443 = arith.addi %mul3A_243, %add3A_442 : i32
      %get3A_444 = arith.index_cast %add3A_443 : i32 to index
      %get3A_445 = tpu.vector_load %arg12[%get3A_444] {strides = array<i32>} : memref<8192xf32, #tpu.memory_space<vmem>>, vector<16xf32>,
      %get3A_446 = vector.shape_cast %get3A_445 : vector<16xf32> to vector<16xf32>
      %sub3A_447 = arith.subf %get3A_441, %get3A_446 : vector<16xf32>
      %mul3A_448 = arith.mulf %sub3A_447, %sub3A_447 : vector<16xf32>
      %add3A_449 = arith.addf %scan3A_241, %mul3A_448 : vector<16xf32>
      scf.yield %add3A_254, %add3A_267, %add3A_280, %add3A_293, %add3A_306, %add3A_319, %add3A_332, %add3A_345, %add3A_358, %add3A_371, %add3A_384, %add3A_397, %add3A_410, %add3A_423, %add3A_436, %add3A_449 : vector<16xf32>, vector<16xf32>, vector<16xf32>, vector<16xf32>, vector<16xf32>, vector<16xf32>, vector<16xf32>, vector<16xf32>, vector<16xf32>, vector<16xf32>, vector<16xf32>, vector<16xf32>, vector<16xf32>, vector<16xf32>, vector<16xf32>, vector<16xf32>
    }
    %scan3A_172 = arith.constant 32 : i32
    %add3A_173 = arith.addf %scan3A_171#0, %scan3A_171#1 : vector<16xf32>
    %add3A_174 = arith.addf %add3A_173, %scan3A_171#2 : vector<16xf32>
    %add3A_175 = arith.addf %add3A_174, %scan3A_171#3 : vector<16xf32>
    %add3A_176 = arith.addf %add3A_175, %scan3A_171#4 : vector<16xf32>
    %add3A_177 = arith.addf %add3A_176, %scan3A_171#5 : vector<16xf32>
    %add3A_178 = arith.addf %add3A_177, %scan3A_171#6 : vector<16xf32>
    %add3A_179 = arith.addf %add3A_178, %scan3A_171#7 : vector<16xf32>
    %add3A_180 = arith.addf %add3A_179, %scan3A_171#8 : vector<16xf32>
    %add3A_181 = arith.addf %add3A_180, %scan3A_171#9 : vector<16xf32>
    %add3A_182 = arith.addf %add3A_181, %scan3A_171#10 : vector<16xf32>
    %add3A_183 = arith.addf %add3A_182, %scan3A_171#11 : vector<16xf32>
    %add3A_184 = arith.addf %add3A_183, %scan3A_171#12 : vector<16xf32>
    %add3A_185 = arith.addf %add3A_184, %scan3A_171#13 : vector<16xf32>
    %add3A_186 = arith.addf %add3A_185, %scan3A_171#14 : vector<16xf32>
    %add3A_187 = arith.addf %add3A_186, %scan3A_171#15 : vector<16xf32>
    %swap3A = arith.constant 0 : i32
    %swap3A_188 = arith.index_cast %swap3A : i32 to index
    %swap3A_189 = arith.constant 0 : index
    %swap3A_190 = tpu.vector_load %arg13[%swap3A_188, %swap3A_189] {strides = array<i32>} : memref<1x16xf32, #tpu.memory_space<vmem>>, vector<1x16xf32>,
    %swap3A_191 = vector.shape_cast %swap3A_190 : vector<1x16xf32> to vector<16xf32>
    %swap3A_192 = vector.shape_cast %add3A_187 : vector<16xf32> to vector<1x16xf32>
    tpu.vector_store %arg13[%swap3A_188, %swap3A_189], %swap3A_192 {strides = array<i32>} : memref<1x16xf32, #tpu.memory_space<vmem>>, vector<1x16xf32>,
    %broadcast_in_dim3A_193 = arith.constant 0.000000e+00 : f32
    %broadcast_in_dim3A_194 = vector.broadcast %broadcast_in_dim3A_193 : f32 to vector<16xf32>
    %broadcast_in_dim3A_195 = arith.constant 0.000000e+00 : f32
    %broadcast_in_dim3A_196 = vector.broadcast %broadcast_in_dim3A_195 : f32 to vector<16xf32>
    %broadcast_in_dim3A_197 = arith.constant 0.000000e+00 : f32
    %broadcast_in_dim3A_198 = vector.broadcast %broadcast_in_dim3A_197 : f32 to vector<16xf32>
    %broadcast_in_dim3A_199 = arith.constant 0.000000e+00 : f32
    %broadcast_in_dim3A_200 = vector.broadcast %broadcast_in_dim3A_199 : f32 to vector<16xf32>
    %broadcast_in_dim3A_201 = arith.constant 0.000000e+00 : f32
    %broadcast_in_dim3A_202 = vector.broadcast %broadcast_in_dim3A_201 : f32 to vector<16xf32>
    %broadcast_in_dim3A_203 = arith.constant 0.000000e+00 : f32
    %broadcast_in_dim3A_204 = vector.broadcast %broadcast_in_dim3A_203 : f32 to vector<16xf32>
    %broadcast_in_dim3A_205 = arith.constant 0.000000e+00 : f32
    %broadcast_in_dim3A_206 = vector.broadcast %broadcast_in_dim3A_205 : f32 to vector<16xf32>
    %broadcast_in_dim3A_207 = arith.constant 0.000000e+00 : f32
    %broadcast_in_dim3A_208 = vector.broadcast %broadcast_in_dim3A_207 : f32 to vector<16xf32>
    %broadcast_in_dim3A_209 = arith.constant 0.000000e+00 : f32
    %broadcast_in_dim3A_210 = vector.broadcast %broadcast_in_dim3A_209 : f32 to vector<16xf32>
    %broadcast_in_dim3A_211 = arith.constant 0.000000e+00 : f32
    %broadcast_in_dim3A_212 = vector.broadcast %broadcast_in_dim3A_211 : f32 to vector<16xf32>
    %broadcast_in_dim3A_213 = arith.constant 0.000000e+00 : f32
    %broadcast_in_dim3A_214 = vector.broadcast %broadcast_in_dim3A_213 : f32 to vector<16xf32>
    %broadcast_in_dim3A_215 = arith.constant 0.000000e+00 : f32
    %broadcast_in_dim3A_216 = vector.broadcast %broadcast_in_dim3A_215 : f32 to vector<16xf32>
    %broadcast_in_dim3A_217 = arith.constant 0.000000e+00 : f32
    %broadcast_in_dim3A_218 = vector.broadcast %broadcast_in_dim3A_217 : f32 to vector<16xf32>
    %broadcast_in_dim3A_219 = arith.constant 0.000000e+00 : f32
    %broadcast_in_dim3A_220 = vector.broadcast %broadcast_in_dim3A_219 : f32 to vector<16xf32>
    %broadcast_in_dim3A_221 = arith.constant 0.000000e+00 : f32
    %broadcast_in_dim3A_222 = vector.broadcast %broadcast_in_dim3A_221 : f32 to vector<16xf32>
    %broadcast_in_dim3A_223 = arith.constant 0.000000e+00 : f32
    %broadcast_in_dim3A_224 = vector.broadcast %broadcast_in_dim3A_223 : f32 to vector<16xf32>
    "tpu.region"() ({
      %run_scoped3A = tpu.sem_alloc : memref<!tpu.dma_semaphore, #tpu.memory_space<semaphore_mem>>
      %dma_start3A_225 = arith.constant 0 : i32
      %dma_start3A_226 = arith.constant 0 : i32
      %dma_start3A_227 = tpu.memref_slice %arg4[%add3A, %dma_start3A_225, %dma_start3A_226] : memref<32x1x16xf32, #tpu.memory_space<hbm>> -> memref<1x1x16xf32, #tpu.memory_space<hbm>>
      %dma_start3A_228 = tpu.memref_squeeze %dma_start3A_227 : memref<1x1x16xf32, #tpu.memory_space<hbm>> -> memref<1x16xf32, #tpu.memory_space<hbm>>
      %dma_start3A_229 = arith.constant 0 : i32
      %dma_start3A_230 = arith.constant 0 : i32
      %dma_start3A_231 = tpu.memref_slice %arg4[%add3A, %dma_start3A_229, %dma_start3A_230] : memref<32x1x16xf32, #tpu.memory_space<hbm>> -> memref<1x1x16xf32, #tpu.memory_space<hbm>>
      %dma_start3A_232 = tpu.memref_squeeze %dma_start3A_231 : memref<1x1x16xf32, #tpu.memory_space<hbm>> -> memref<1x16xf32, #tpu.memory_space<hbm>>
      tpu.enqueue_dma source(%arg13 : memref<1x16xf32, #tpu.memory_space<vmem>>) target(%dma_start3A_232 : memref<1x16xf32, #tpu.memory_space<hbm>>) target_semaphore(%run_scoped3A : memref<!tpu.dma_semaphore, #tpu.memory_space<semaphore_mem>>)
      %dma_wait3A_233 = arith.constant 0 : i32
      %dma_wait3A_234 = arith.constant 0 : i32
      %dma_wait3A_235 = tpu.memref_slice %arg4[%add3A, %dma_wait3A_233, %dma_wait3A_234] : memref<32x1x16xf32, #tpu.memory_space<hbm>> -> memref<1x1x16xf32, #tpu.memory_space<hbm>>
      %dma_wait3A_236 = tpu.memref_squeeze %dma_wait3A_235 : memref<1x1x16xf32, #tpu.memory_space<hbm>> -> memref<1x16xf32, #tpu.memory_space<hbm>>
      %dma_wait3A_237 = arith.constant 0 : i32
      %dma_wait3A_238 = arith.constant 0 : i32
      %dma_wait3A_239 = tpu.memref_slice %arg4[%add3A, %dma_wait3A_237, %dma_wait3A_238] : memref<32x1x16xf32, #tpu.memory_space<hbm>> -> memref<1x1x16xf32, #tpu.memory_space<hbm>>
      %dma_wait3A_240 = tpu.memref_squeeze %dma_wait3A_239 : memref<1x1x16xf32, #tpu.memory_space<hbm>> -> memref<1x16xf32, #tpu.memory_space<hbm>>
      tpu.wait_dma2 semaphore(%run_scoped3A : memref<!tpu.dma_semaphore, #tpu.memory_space<semaphore_mem>>) src(%arg13 : memref<1x16xf32, #tpu.memory_space<vmem>>) dst(%dma_wait3A_240 : memref<1x16xf32, #tpu.memory_space<hbm>>)
      tpu.yield
    }) : () -> ()
    return
  }
}

module attributes {stable_mosaic.version = 14 : i64} {
  func.func @_tc_reduce_body(%arg0: i32, %arg1: memref<96x4096xf32, #tpu.memory_space<vmem>>, %arg2: memref<96x4096xf32, #tpu.memory_space<vmem>>, %arg3: memref<96x1xf32, #tpu.memory_space<vmem>>) attributes {dimension_semantics = [#tpu.dimension_semantics<arbitrary>], iteration_bounds = array<i64: 8>, scalar_prefetch = 0 : i64, scratch_operands = 0 : i64, tpu.core_type = #tpu.core_type<tc>, window_params = [{transform_indices = @transform_0, window_bounds = array<i64: 96, 4096>}, {transform_indices = @transform_1, window_bounds = array<i64: 96, 4096>}, {pipeline_mode = #tpu.pipeline_mode<synchronous>, transform_indices = @transform_2, window_bounds = array<i64: 96, 1>}]} {
    %get3A = arith.constant 0 : index
    %get3A_0 = arith.constant 0 : index
    %get3A_1 = vector.load %arg1[%get3A, %get3A_0] : memref<96x4096xf32, #tpu.memory_space<vmem>>, vector<96x4096xf32>
    %get3A_2 = arith.constant 0 : index
    %get3A_3 = arith.constant 0 : index
    %get3A_4 = vector.load %arg2[%get3A_2, %get3A_3] : memref<96x4096xf32, #tpu.memory_space<vmem>>, vector<96x4096xf32>
    %sub3A = arith.subf %get3A_1, %get3A_4 : vector<96x4096xf32>
    %mul3A = arith.mulf %sub3A, %sub3A : vector<96x4096xf32>
    %reduce_sum3A = arith.constant dense<0.000000e+00> : vector<96xf32>
    %reduce_sum3A_5 = vector.multi_reduction <add>, %mul3A, %reduce_sum3A [1] : vector<96x4096xf32> to vector<96xf32>
    %broadcast_in_dim3A = vector.shape_cast %reduce_sum3A_5 : vector<96xf32> to vector<96x1xf32>
    %eq3A = arith.constant 0 : i32
    %eq3A_6 = arith.cmpi eq, %arg0, %eq3A : i32
    %convert_element_type3A = arith.extui %eq3A_6 : i1 to i32
    %cond3A = arith.constant 0 : i32
    %cond3A_7 = arith.cmpi ne, %convert_element_type3A, %cond3A : i32
    scf.if %cond3A_7 {
      %swap3A = arith.constant 0 : index
      %swap3A_12 = arith.constant 0 : index
      %swap3A_13 = vector.load %arg3[%swap3A, %swap3A_12] : memref<96x1xf32, #tpu.memory_space<vmem>>, vector<96x1xf32>
      tpu.vector_store %arg3[%swap3A, %swap3A_12], %broadcast_in_dim3A {strides = array<i32>} : memref<96x1xf32, #tpu.memory_space<vmem>>, vector<96x1xf32>,
    } else {
    }
    %ne3A = arith.constant 0 : i32
    %ne3A_8 = arith.cmpi ne, %arg0, %ne3A : i32
    %convert_element_type3A_9 = arith.extui %ne3A_8 : i1 to i32
    %cond3A_10 = arith.constant 0 : i32
    %cond3A_11 = arith.cmpi ne, %convert_element_type3A_9, %cond3A_10 : i32
    scf.if %cond3A_11 {
      %get3A_12 = arith.constant 0 : index
      %get3A_13 = arith.constant 0 : index
      %get3A_14 = vector.load %arg3[%get3A_12, %get3A_13] : memref<96x1xf32, #tpu.memory_space<vmem>>, vector<96x1xf32>
      %add3A = arith.addf %get3A_14, %broadcast_in_dim3A : vector<96x1xf32>
      %swap3A = arith.constant 0 : index
      %swap3A_15 = arith.constant 0 : index
      %swap3A_16 = vector.load %arg3[%swap3A, %swap3A_15] : memref<96x1xf32, #tpu.memory_space<vmem>>, vector<96x1xf32>
      tpu.vector_store %arg3[%swap3A, %swap3A_15], %add3A {strides = array<i32>} : memref<96x1xf32, #tpu.memory_space<vmem>>, vector<96x1xf32>,
    } else {
    }
    return
  }
  func.func @transform_0(%arg0: i32) -> (i32, i32) {
    %c0_i32 = arith.constant 0 : i32
    %c0_i32_0 = arith.constant 0 : i32
    return %c0_i32, %arg0 : i32, i32
  }
  func.func @transform_1(%arg0: i32) -> (i32, i32) {
    %c0_i32 = arith.constant 0 : i32
    %c0_i32_0 = arith.constant 0 : i32
    return %c0_i32, %arg0 : i32, i32
  }
  func.func @transform_2(%arg0: i32) -> (i32, i32) {
    %c0_i32 = arith.constant 0 : i32
    %c0_i32_0 = arith.constant 0 : i32
    %c0_i32_1 = arith.constant 0 : i32
    return %c0_i32, %c0_i32_0 : i32, i32
  }
}

module attributes {stable_mosaic.version = 14 : i64} {
  func.func @_merge_body(%arg0: memref<96x1xf32, #tpu.memory_space<vmem>>, %arg1: memref<32x16xf32, #tpu.memory_space<vmem>>, %arg2: memref<1x1xf32, #tpu.memory_space<vmem>>) attributes {dimension_semantics = [], scalar_prefetch = 0 : i64, scratch_operands = 0 : i64, tpu.core_type = #tpu.core_type<tc>} {
    %get3A = arith.constant 0 : index
    %get3A_0 = arith.constant 0 : index
    %get3A_1 = vector.load %arg0[%get3A, %get3A_0] : memref<96x1xf32, #tpu.memory_space<vmem>>, vector<96x1xf32>
    %get3A_2 = arith.constant 0 : index
    %get3A_3 = arith.constant 0 : index
    %get3A_4 = vector.load %arg1[%get3A_2, %get3A_3] : memref<32x16xf32, #tpu.memory_space<vmem>>, vector<32x16xf32>
    %reduce_sum3A = arith.constant dense<0.000000e+00> : vector<32xf32>
    %reduce_sum3A_5 = vector.multi_reduction <add>, %get3A_4, %reduce_sum3A [1] : vector<32x16xf32> to vector<32xf32>
    %broadcast_in_dim3A = vector.shape_cast %reduce_sum3A_5 : vector<32xf32> to vector<32x1xf32>
    %concatenate3A = tpu.concatenate %get3A_1, %broadcast_in_dim3A in 0 : vector<96x1xf32>, vector<32x1xf32> -> vector<128x1xf32>
    %mul3A = arith.constant 3.05175781E-5 : f32
    %mul3A_6 = vector.broadcast %mul3A : f32 to vector<128x1xf32>
    %mul3A_7 = arith.mulf %concatenate3A, %mul3A_6 : vector<128x1xf32>
    %iota3A = tpu.iota {dimensions = array<i32: 0>} : vector<128x128xi32>
    %iota3A_8 = tpu.iota {dimensions = array<i32: 1>} : vector<128x128xi32>
    %eq3A = arith.cmpi eq, %iota3A, %iota3A_8 : vector<128x128xi32>
    %convert_element_type3A = arith.extui %eq3A : vector<128x128xi1> to vector<128x128xi32>
    %convert_element_type3A_9 = arith.sitofp %convert_element_type3A : vector<128x128xi32> to vector<128x128xf32>
    %dot_general3A = arith.constant dense<0.000000e+00> : vector<1x128xf32>
    %dot_general3A_10 = tpu.matmul %mul3A_7, %convert_element_type3A_9, %dot_general3A {dimension_numbers = #tpu.dot_dimension_numbers<[0], [0], [1], [1], [0, 1, 1, 1], [], []>, transpose_lhs_hint = false} : vector<128x1xf32>, vector<128x128xf32>, vector<1x128xf32> -> vector<1x128xf32>
    %gt3A = vector.broadcast %dot_general3A_10 : vector<1x128xf32> to vector<128x128xf32>
    %gt3A_11 = vector.broadcast %mul3A_7 : vector<128x1xf32> to vector<128x128xf32>
    %gt3A_12 = arith.cmpf ogt, %gt3A, %gt3A_11 : vector<128x128xf32>
    %convert_element_type3A_13 = arith.extui %gt3A_12 : vector<128x128xi1> to vector<128x128xi32>
    %convert_element_type3A_14 = arith.sitofp %convert_element_type3A_13 : vector<128x128xi32> to vector<128x128xf32>
    %broadcast_in_dim3A_15 = arith.constant 1.000000e+00 : f32
    %broadcast_in_dim3A_16 = vector.broadcast %broadcast_in_dim3A_15 : f32 to vector<128x1xf32>
    %dot_general3A_17 = arith.constant dense<0.000000e+00> : vector<128x1xf32>
    %dot_general3A_18 = tpu.matmul %convert_element_type3A_14, %broadcast_in_dim3A_16, %dot_general3A_17 {dimension_numbers = #tpu.dot_dimension_numbers<[1], [0], [0], [1], [0, 0, 1, 1], [], []>, transpose_lhs_hint = false} : vector<128x128xf32>, vector<128x1xf32>, vector<128x1xf32> -> vector<128x1xf32>
    %lt3A = arith.constant 6.400000e+01 : f32
    %lt3A_19 = vector.broadcast %lt3A : f32 to vector<128x1xf32>
    %lt3A_20 = arith.cmpf olt, %dot_general3A_18, %lt3A_19 : vector<128x1xf32>
    %jit3A = arith.constant 0x7F800000 : f32
    %broadcast_in_dim3A_21 = vector.broadcast %jit3A : f32 to vector<128x1xf32>
    %select_n3A = arith.select %lt3A_20, %mul3A_7, %broadcast_in_dim3A_21 : vector<128x1xi1>, vector<128x1xf32>
    %reduce_min3A = vector.shape_cast %select_n3A : vector<128x1xf32> to vector<1x128x1xf32>
    %reduce_min3A_22 = arith.constant dense<0x7F800000> : vector<1xf32>
    %reduce_min3A_23 = vector.multi_reduction <minimumf>, %reduce_min3A, %reduce_min3A_22 [1, 2] : vector<1x128x1xf32> to vector<1xf32>
    %reduce_min3A_24 = vector.shape_cast %reduce_min3A_23 : vector<1xf32> to vector<1x1x1xf32>
    %reduce_min3A_25 = vector.extract %reduce_min3A_24[0, 0, 0] : f32 from vector<1x1x1xf32>
    %gt3A_26 = vector.broadcast %reduce_min3A_25 : f32 to vector<128x1xf32>
    %gt3A_27 = arith.cmpf ogt, %mul3A_7, %gt3A_26 : vector<128x1xf32>
    %convert_element_type3A_28 = arith.extui %gt3A_27 : vector<128x1xi1> to vector<128x1xi32>
    %convert_element_type3A_29 = arith.sitofp %convert_element_type3A_28 : vector<128x1xi32> to vector<128x1xf32>
    %reduce_sum3A_30 = vector.shape_cast %convert_element_type3A_29 : vector<128x1xf32> to vector<1x128x1xf32>
    %reduce_sum3A_31 = arith.constant dense<0.000000e+00> : vector<1xf32>
    %reduce_sum3A_32 = vector.multi_reduction <add>, %reduce_sum3A_30, %reduce_sum3A_31 [1, 2] : vector<1x128x1xf32> to vector<1xf32>
    %reduce_sum3A_33 = vector.shape_cast %reduce_sum3A_32 : vector<1xf32> to vector<1x1x1xf32>
    %reduce_sum3A_34 = vector.extract %reduce_sum3A_33[0, 0, 0] : f32 from vector<1x1x1xf32>
    %jit3A_35 = arith.constant 0.000000e+00 : f32
    %broadcast_in_dim3A_36 = vector.broadcast %jit3A_35 : f32 to vector<128x1xf32>
    %select_n3A_37 = arith.select %gt3A_27, %mul3A_7, %broadcast_in_dim3A_36 : vector<128x1xi1>, vector<128x1xf32>
    %reduce_sum3A_38 = vector.shape_cast %select_n3A_37 : vector<128x1xf32> to vector<1x128x1xf32>
    %reduce_sum3A_39 = arith.constant dense<0.000000e+00> : vector<1xf32>
    %reduce_sum3A_40 = vector.multi_reduction <add>, %reduce_sum3A_38, %reduce_sum3A_39 [1, 2] : vector<1x128x1xf32> to vector<1xf32>
    %reduce_sum3A_41 = vector.shape_cast %reduce_sum3A_40 : vector<1xf32> to vector<1x1x1xf32>
    %reduce_sum3A_42 = vector.extract %reduce_sum3A_41[0, 0, 0] : f32 from vector<1x1x1xf32>
    %sub3A = arith.constant 6.400000e+01 : f32
    %sub3A_43 = arith.subf %sub3A, %reduce_sum3A_34 : f32
    %mul3A_44 = arith.mulf %reduce_min3A_25, %sub3A_43 : f32
    %add3A = arith.addf %reduce_sum3A_42, %mul3A_44 : f32
    %reshape3A = vector.broadcast %add3A : f32 to vector<1x1xf32>
    %swap3A = arith.constant 0 : index
    %swap3A_45 = arith.constant 0 : index
    %swap3A_46 = vector.load %arg2[%swap3A, %swap3A_45] : memref<1x1xf32, #tpu.memory_space<vmem>>, vector<1x1xf32>
    tpu.vector_store %arg2[%swap3A, %swap3A_45], %reshape3A {strides = array<i32>} : memref<1x1xf32, #tpu.memory_space<vmem>>, vector<1x1xf32>,
    return
  }
}

</mosaic_0001>

<sc_bundles>
// kernel: kernel.5.cloned.1.call-start
scs
__scs_entry_jumppad:
0x0: {  	(pc) =	sbr.rel $0x88, $3  }
0x1: {  	(tag) =	ssettag $0x0;
	lr =	simm.s32 $0x1  }
0x2: {  	[smem:$0x3F9F] =	sst lr;
	_ =	strace $0xD0000000  }
0x3: {  	_ = 	snop  }
0x4: {  	_ = 	snop  }
0x5: {  	_ = 	snop  }
0x6: {  	_ = 	snop  }
0x7: {  	_ = 	snop  }
__scs_overlays_trampoline_lowered:
0x8: {  	[smem:$0x3FAE] =	sst s0  }
0x9: {  	[smem:$0x3FAF] =	sst s1  }
0xa: {  	[smem:$0x3FB0] =	sst s2  }
0xb: {  	[smem:$0x3FB1] =	sst s3  }
0xc: {  	[smem:$0x3FB2] =	sst s4  }
0xd: {  	[smem:$0x3FB3] =	sst s5  }
0xe: {  	[smem:$0x3FB4] =	sst s6  }
0xf: {  	[smem:$0x3FB5] =	sst s7  }
0x10: {  	[smem:$0x3FB6] =	sst s8  }
0x11: {  	[smem:$0x3FB7] =	sst s9;
	s0 =	simm.s32 @!p0 $0x0  }
0x12: {  	s1 =	sld [smem:$0x3F9D];
	s0 =	simm.s32 @p0 $0x1  }
0x13: {  	[smem:$0x3FB8] =	sst s0;
	s0 =	simm.s32 @!p1 $0x0  }
0x14: {  	s2 =	sld [smem:$0x3F9C];
	s0 =	simm.s32 @p1 $0x1  }
0x15: {  	[smem:$0x3FB9] =	sst s0;
	s0 =	simm.s32 @!p2 $0x0  }
0x16: {  	s3 =	sld [smem:$0x3FDB];
	s0 =	simm.s32 @p2 $0x1  }
0x17: {  	s4 =	simm.s32 $0x1BF5;
	[smem:$0x3FBB] =	sst s0  }
0x18: {  	s0 =	sld [smem:$0x3F9E];
	_ =	swait.ge [sflag:s4], $0x0  }
0x19: {  	s7 =	sld [smem:$0x3F9F]  }
0x1a: {  	s8 =	sadd.s32 $0xFFFFE003, lr  }
0x1b: {  	s9 =	sadd.s32 $0xFFFFFEF7, lr;
	s5 =	simm.s32 $0xFFFFFFFF;
	p2 =	slt.u32 s8, $0xFFFFF086  }
0x1c: {  	p1 =	slt.u32 s9, $0xF7A;
	s5 =	simm.s32 @!p2 $0x0  }
0x1d: {  	s5 =	simm.s32 @p1 $0x1;
	p0 =	seq.s32 s7, s2  }
0x1e: {  	s7 =	smul.u32 @!p0 $0xF7A, s2;
	p2 =	seq.s32 @!p0 s5, $0x0  }
0x1f: {  	s9 =	smul.u32 $0xF7A, s1;
	s8 =	simm.s32 @!p0 $0x1BF5;
	p2 =	por !p2, p0  }
0x20: {  	[sflag:s8] =	ssyncset.s32 @!p0 $0xFFFFF086;
	s6 =	sadd.s32 @!p0 s3, s7;
	s7 =	simm.s32 @!p0 $0x108  }
0x21: {  	s3 =	sadd.s32 s3, s9;
	s6 =	sadd.s32 @!p0 $0x88, s6;
	s7 =	simm.s32 @p2 $0x1082  }
0x22: {  	[simem:s7], [sflag:s8] =	dma.local @!p0 [hbm:s6], $0xF7A  }
0x23: {  	s9 =	sor.u32 $0xD0000000, s2;
	s6 =	simm.s32 $0x108;
	_ =	swait.ge @!p0 [sflag:s8], $0x0  }
0x24: {  	s3 =	sadd.s32 $0x88, s3;
	s6 =	simm.s32 @!p1 $0x1082;
	[sflag:s4] =	ssyncset.s32 $0xFFFFF086  }
0x25: {  	[simem:s6], [sflag:s4] =	dma.local [hbm:s3], $0xF7A  }
0x26: {  	[smem:$0x3F9F] =	sst s1;
	(tag) =	ssettag s2;
	_ =	strace s9  }
0x27: {  	s1 =	sld [smem:$0x3FAF]  }
0x28: {  	s2 =	sld [smem:$0x3FB0]  }
0x29: {  	s4 =	sld [smem:$0x3FB2]  }
0x2a: {  	p0 =	seq.s32 s5, $0x0;
	s5 =	sld [smem:$0x3FB3]  }
0x2b: {  	s6 =	sld [smem:$0x3FB4]  }
0x2c: {  	s7 =	sld [smem:$0x3FB5]  }
0x2d: {  	s3 =	simm.s32 $0x108;
	s8 =	sld [smem:$0x3FB6]  }
0x2e: {  	s3 =	simm.s32 @!p0 $0x1082;
	s9 =	sld [smem:$0x3FB7]  }
0x2f: {  	lr =	sadd.s32 s0, s3;
	s0 =	sld [smem:$0x3FAE]  }
0x30: {  	s3 =	sld [smem:$0x3FB1]  }
0x31: {  	[smem:$0x3FBA] =	sst s10  }
0x32: {  	s10 =	sld [smem:$0x3FB8];
	_ =	sdelay $0x3  }
0x33: {  	p0 =	seq.s32 s10, $0x1;
	s10 =	sld [smem:$0x3FBA];
	_ =	sdelay $0x3  }
0x34: {  	[smem:$0x3FBA] =	sst s10  }
0x35: {  	s10 =	sld [smem:$0x3FB9];
	_ =	sdelay $0x3  }
0x36: {  	p1 =	seq.s32 s10, $0x1;
	s10 =	sld [smem:$0x3FBA];
	_ =	sdelay $0x3  }
0x37: {  	[smem:$0x3FBA] =	sst s10  }
0x38: {  	s10 =	sld [smem:$0x3FBB]  }
0x39: {  	_ = 	snop;
	(pc) =	sbr.ind lr, $3  }
0x3a: {  	_ = 	snop  }
0x3b: {  	_ = 	snop  }
0x3c: {  	p2 =	seq.s32 s10, $0x1;
	s10 =	sld [smem:$0x3FBA]  }
0x3d: {  	_ =	shalt  }
0x3e: {  	_ =	shalt  }
0x3f: {  	_ =	shalt  }
0x40: {  	_ =	shalt  }
0x41: {  	_ =	shalt  }
0x42: {  	_ =	shalt  }
0x43: {  	_ =	shalt  }
0x44: {  	_ =	shalt  }
0x45: {  	_ =	shalt  }
0x46: {  	_ =	shalt  }
0x47: {  	_ =	shalt  }
0x48: {  	_ =	shalt  }
0x49: {  	_ =	shalt  }
0x4a: {  	_ =	shalt  }
0x4b: {  	_ =	shalt  }
0x4c: {  	_ =	shalt  }
0x4d: {  	_ =	shalt  }
0x4e: {  	_ =	shalt  }
0x4f: {  	_ =	shalt  }
0x50: {  	_ =	shalt  }
0x51: {  	_ =	shalt  }
0x52: {  	_ =	shalt  }
0x53: {  	_ =	shalt  }
0x54: {  	_ =	shalt  }
0x55: {  	_ =	shalt  }
0x56: {  	_ =	shalt  }
0x57: {  	_ =	shalt  }
0x58: {  	_ =	shalt  }
0x59: {  	_ =	shalt  }
0x5a: {  	_ =	shalt  }
0x5b: {  	_ =	shalt  }
0x5c: {  	_ =	shalt  }
0x5d: {  	_ =	shalt  }
0x5e: {  	_ =	shalt  }
0x5f: {  	_ =	shalt  }
0x60: {  	_ =	shalt  }
0x61: {  	_ =	shalt  }
0x62: {  	_ =	shalt  }
0x63: {  	_ =	shalt  }
0x64: {  	_ =	shalt  }
0x65: {  	_ =	shalt  }
0x66: {  	_ =	shalt  }
0x67: {  	_ =	shalt  }
0x68: {  	_ =	shalt  }
0x69: {  	_ =	shalt  }
0x6a: {  	_ =	shalt  }
0x6b: {  	_ =	shalt  }
0x6c: {  	_ =	shalt  }
0x6d: {  	_ =	shalt  }
0x6e: {  	_ =	shalt  }
0x6f: {  	_ =	shalt  }
0x70: {  	_ =	shalt  }
0x71: {  	_ =	shalt  }
0x72: {  	_ =	shalt  }
0x73: {  	_ =	shalt  }
0x74: {  	_ =	shalt  }
0x75: {  	_ =	shalt  }
0x76: {  	_ =	shalt  }
0x77: {  	_ =	shalt  }
0x78: {  	_ =	shalt  }
0x79: {  	_ =	shalt  }
0x7a: {  	_ =	shalt  }
0x7b: {  	_ =	shalt  }
0x7c: {  	_ =	shalt  }
0x7d: {  	_ =	shalt  }
0x7e: {  	_ =	shalt  }
0x7f: {  	_ =	shalt  }
0x80: {  	_ =	shalt  }
0x81: {  	_ =	shalt  }
0x82: {  	_ =	shalt  }
0x83: {  	_ =	shalt  }
0x84: {  	_ =	shalt  }
0x85: {  	_ =	shalt  }
0x86: {  	_ =	shalt  }
0x87: {  	_ =	shalt  }
.Lfunc_end0:
.L_simem_size_0:
called_computation_lowered:
.L_overlay_start_0:
0x88: {  	s2 =	sld [smem:$0x3FD9]  }
0x89: {  	s3 =	sld [smem:$0x3FFE];
	_ =	sdelay $0x1  }
0x8a: {  	s1 =	srdreg.scid  }
0x8b: {  	s0 =	sand.u32 $0x1, s1  }
0x8c: {  	s17 =	sshll.u32 s0, $0xA;
	s2 =	sadd.s32 s3, s2  }
0x8d: {  	s2 =	sadd.s32 s2, s17  }
0x8e: {  	[smem:$0x3FC6] =	sst s2  }
0x8f: {  	_ = 	snop  }
0x90: {  	s2 =	sld [smem:$0x3FC9]  }
0x91: {  	s18 =	sld [smem:$0x3FC8];
	(tm) =	ssettm $0x1  }
0x92: {  	s4 =	sld [smem:$0x3FFB];
	_ =	sdelay $0x3  }
0x93: {  	_ =	strace s4  }
0x94: {  	s4 =	sld [smem:$0x3FFC];
	_ =	sdelay $0x3  }
0x95: {  	_ =	strace s4  }
0x96: {  	s4 =	sld [smem:$0x3FFD];
	_ =	sdelay $0x3  }
0x97: {  	_ =	strace s4  }
0x98: {  	_ =	strace $0x8FFFFFFF  }
0x99: {  	s19 =	sld [smem:$0x3FDB];
	_ =	sdelay $0x1  }
0x9a: {  	s5 =	simm.s32 $_scs_section_size  }
0x9b: {  	s6 =	simm.s32 $_size__tile_overlayer_lowered;
	s7 =	simm.s32 $_tile_overlayer_lowered  }
0x9c: {  	s22 =	simm.s32 $0x1BFF;
	s21 =	sshll.u32 s7, $0x1;
	s4 =	sadd.s32 s5, s19  }
0x9d: {  	s8 =	simm.s32 $0x0;
	s20 =	sshll.u32 s6, $0x1;
	s6 =	sadd.s32 s21, s4  }
0x9e: {  	[timem:s8], [sflag:s22] =	dma.local [hbm:s6], s20  }
0x9f: {  	_ =	swait.ge [sflag:s22], s20  }
0xa0: {  	s5 =	ssub.s32 $0x0, s20;
	[sflag:s22] =	ssyncset.done $0x0  }
0xa1: {  	[sflag:s22] =	ssyncadd.s32 s5;
	_ =	sdelay $0x1  }
0xa2: {  	s23 =	simm.s32 $0x1B8B  }
0xa3: {  	_ =	swait.ge [sflag:s23], $0x1  }
0xa4: {  	[sflag:s23] =	ssyncset.done $0x0  }
0xa5: {  	s25 =	simm.s32 $0x1B8E;
	s24 =	sld [smem:$0x3FFE];
	[sflag:s23] =	ssyncadd.s32 $0xFFFFFFFF  }
0xa6: {  	s26 =	simm.s32 $execute0_lowered;
	[smem:$0x3FD2] =	sst s25  }
0xa7: {  	s6 =	sshll.u32 s26, $0x1;
	_ =	strace $0x80000046;
	[dreg:$0x1] =	wrdreg $0xFFFFFFFF  }
0xa8: {  	s28 =	simm.s32 $_size_execute0_lowered;
	s4 =	sadd.s32 s4, s6;
	[dreg:$0x0] =	wrdreg $0x0  }
0xa9: {  	s6 =	sshll.u32 s28, $0x1;
	[dreg:$0x2] =	wrdreg s4  }
0xaa: {  	[dreg:$0x3] =	wrdreg s6  }
0xab: {  	[dreg:$0x4] =	wrdreg $0xC0  }
0xac: {  	_ =	task [dreg:s8], $0x5FFFF  }
0xad: {  	[dreg:$0x1] =	wrdreg $0xFFFFFFFF  }
0xae: {  	[dreg:$0x0] =	wrdreg $0x60  }
0xaf: {  	[dreg:$0x2] =	wrdreg s2  }
0xb0: {  	[dreg:$0x3] =	wrdreg s18  }
0xb1: {  	[dreg:$0x4] =	wrdreg s24  }
0xb2: {  	[dreg:$0x5] =	wrdreg $0x9  }
0xb3: {  	_ =	task.clear_ibuf [dreg:s8], $0x6FFFF;
	_ =	strace $0x90000046  }
0xb4: {  	s29 =	simm.s32 $0x9;
	_ =	strace $0x80000048  }
0xb5: {  	_ =	swait.ge [sflag:s29], $0x1  }
0xb6: {  	[sflag:s29] =	ssyncadd.s32 $0xFFFFFFFF  }
0xb7: {  	_ =	strace $0x90000048  }
0xb8: {  	_ =	sfence  }
0xb9: {  	s30 =	sld [smem:$0x0];
	_ =	sdelay $0x2  }
0xba: {  	s31 =	sshll.u32 s1, $0xD;
	s1 =	sshrl.u32 s1, $0x2  }
0xbb: {  	s3 =	sand.u32 $0x4000, s31;
	s1 =	sadd.s32 s1, s30  }
0xbc: {  	s0 =	sor.u32 s3, s0;
	s1 =	sshll.u32 s1, $0x11  }
0xbd: {  	s0 =	sor.u32 s1, s0  }
0xbe: {  	s0 =	sadd.s32 $0x8F2B, s0  }
0xbf: {  	[sflag:s0] =	ssyncadd.remote.s32 $0x1  }
0xc0: {  	_ =	sfence.sel $0xFFFF  }
0xc1: {  	[dreg:$0x0] =	wrdreg $0xFFFFFFFF;
	(pc) =	sbr.abs _section_cstart, $3  }
0xc2: {  	[dreg:$0x1] =	wrdreg $0xFFFFFFFF  }
0xc3: {  	_ =	task.clear_ibuf [dreg:s8], $0x2FFFF;
	_ =	strace $0x9FFFFFFF  }
0xc4: {  	(tm) =	ssettm $0x7FFFFFFF  }
0xc5: {  	_ =	shalt  }
tec
execute0_lowered:
.L_overlay_start_1:
0x0: {  	(tag) =	ssettag $0x1  }
0x1: {  	s0 =	rddreg [dreg:$0x0]  }
0x2: {  	s1 =	rddreg [dreg:$0x1];
	s2 =	srdreg.scid  }
0x3: {  	s6 =	stileid.u32;
	s3 =	rddreg [dreg:$0x2]  }
0x4: {  	s13 =	simm.s32 $0x80;
	s14 =	simm.s32 $0x400;
	s17 =	simm.s32 $0xA000  }
0x5: {  	s18 =	simm.s32 $0x4000;
	s19 =	simm.s32 $0xC000;
	s20 =	simm.s32 $0x6000  }
0x6: {  	s21 =	simm.s32 $0xE000;
	s22 =	simm.s32 $0x1;
	s28 =	simm.s32 $0x7  }
0x7: {  	s29 =	simm.s32 $0x4;
	s30 =	simm.s32 $0x8;
	s31 =	simm.s32 $0x10000  }
0x8: {  	s4 =	sand.u32 $0x1, s2;
	s23 =	sshll.u32 s6, $0x1;
	s2 =	simm.s32 $0x0  }
0x9: {  	s6 =	sshll.u32 s6, $0x10;
	s5 =	sor.u32 s4, s23;
	[smem:$0x7FF] =	sst s2  }
0xa: {  	s4 =	ssub.s32 $0x2, s4;
	s23 =	simm.s32 $0x5;
	s7 =	sshll.u32 s5, $0x7  }
0xb: {  	_ =	strace $0x80000047;
	s5 =	sshll.u32 s5, $0x4;
	s9 =	sshrl.u32 s4, $0x1  }
0xc: {  	s8 =	sor.u32 s6, s7;
	s11 =	sadd.s32 s5, s3;
	s7 =	sand.u32 $0x380, s7  }
0xd: {  	s12 =	ssub.s32 s4, s9;
	s8 =	sand.u32 $0xC0380, s8;
	s7 =	sor.u32 s6, s7  }
0xe: {  	s11 =	sadd.s32 $0x800, s11;
	s12 =	smax.u32 s12, $0x1;
	s8 =	sshrl.u32 s8, $0x3  }
0xf: {  	s26 =	sshrl.u32 s7, $0x3;
	s24 =	sor.u32 $0x60000, s8;
	s25 =	sor.u32 $0x62000, s8  }
0x10: {  	s8 =	sor.u32 $0x64000, s8;
	s10 =	sor.u32 $0x66000, s26;
	s26 =	simm.s32 $0x3  }
0x11: {  	s3 =	sadd.s32 s0, s24;
	s4 =	sadd.s32 s1, s24;
	s5 =	sadd.s32 s0, s25  }
0x12: {  	s6 =	sadd.s32 s1, s25;
	s7 =	sadd.s32 s0, s8;
	s8 =	sadd.s32 s1, s8  }
0x13: {  	s9 =	sadd.s32 s0, s10;
	s10 =	sadd.s32 s1, s10;
	s24 =	simm.s32 $0x2  }
0x14: {  	s25 =	simm.s32 $0x6;
	s1 =	simm.s32 $0x9;
	s0 =	simm.s32 $0x0  }
.LBB2_1:
0x15: {  	[tilespmem:s2], [sflag:$0x1] =	stream.strided.gather [hbm4b:s3+s13], $0x2000, s14, s13, $0x38;
	[tilespmem:$0x10080] =	vst v63  }
0x16: {  	s15 =	simm.s32 $0x8000  }
0x17: {  	[tilespmem:s15], [sflag:$0x5] =	stream.strided.gather [hbm4b:s4+s13], $0x2000, s14, s13, $0x38;
	[tilespmem:$0x10080] =	vst v63  }
0x18: {  	s16 =	simm.s32 $0x2000  }
0x19: {  	[tilespmem:s16], [sflag:$0x2] =	stream.strided.gather [hbm4b:s5+s13], $0x2000, s14, s13, $0x38;
	[tilespmem:$0x10080] =	vst v63  }
0x1a: {  	_ = 	snop  }
0x1b: {  	[tilespmem:s17], [sflag:$0x6] =	stream.strided.gather [hbm4b:s6+s13], $0x2000, s14, s13, $0x38;
	[tilespmem:$0x10080] =	vst v63  }
0x1c: {  	_ = 	snop  }
0x1d: {  	[tilespmem:s18], [sflag:$0x3] =	stream.strided.gather [hbm4b:s7+s13], $0x2000, s14, s13, $0x38;
	[tilespmem:$0x10080] =	vst v63  }
0x1e: {  	_ = 	snop  }
0x1f: {  	[tilespmem:s19], [sflag:$0x7] =	stream.strided.gather [hbm4b:s8+s13], $0x2000, s14, s13, $0x38;
	[tilespmem:$0x10080] =	vst v63  }
0x20: {  	_ = 	snop  }
0x21: {  	[tilespmem:s20], [sflag:$0x4] =	stream.strided.gather [hbm4b:s9+s13], $0x2000, s14, s13, $0x38;
	[tilespmem:$0x10080] =	vst v63  }
0x22: {  	_ = 	snop  }
0x23: {  	[tilespmem:s21], [sflag:$0x8] =	stream.strided.gather [hbm4b:s10+s13], $0x2000, s14, s13, $0x38;
	[tilespmem:$0x10080] =	vst v63  }
0x24: {  	_ =	swait.ge [sflag:s22], $0x2000  }
0x25: {  	[sflag:s22] =	ssyncset.done $0x0  }
0x26: {  	[sflag:s22] =	ssyncadd.s32 $0xFFFFE000  }
0x27: {  	_ =	swait.ge [sflag:s23], $0x2000  }
0x28: {  	[sflag:s23] =	ssyncset.done $0x0  }
0x29: {  	s16 =	simm.s32 $0x0;
	[sflag:s23] =	ssyncadd.s32 $0xFFFFE000  }
0x2a: {  	v0 =	vld [tilespmem:s16+$0xF0]  }
0x2b: {  	v1 =	vld [tilespmem:s16+$0x80F0]  }
0x2c: {  	v2 =	vld [tilespmem:s16+$0x0]  }
0x2d: {  	v3 =	vld [tilespmem:s16+$0x8000]  }
0x2e: {  	v4 =	vld [tilespmem:s16+$0x10]  }
0x2f: {  	v5 =	vld [tilespmem:s16+$0x8010]  }
0x30: {  	v6 =	vld [tilespmem:s16+$0x20]  }
0x31: {  	v7 =	vld [tilespmem:s16+$0x8020]  }
0x32: {  	v8 =	vld [tilespmem:s16+$0x30]  }
0x33: {  	v9 =	vld [tilespmem:s16+$0x8030]  }
0x34: {  	v11 =	vld [tilespmem:s16+$0x40]  }
0x35: {  	v13 =	vld [tilespmem:s16+$0x8040]  }
0x36: {  	v14 =	vld [tilespmem:s16+$0x50]  }
0x37: {  	v15 =	vld [tilespmem:s16+$0x8050]  }
0x38: {  	v16 =	vld [tilespmem:s16+$0x60]  }
0x39: {  	v17 =	vld [tilespmem:s16+$0x8060]  }
0x3a: {  	v18 =	vld [tilespmem:s16+$0x70]  }
0x3b: {  	v19 =	vld [tilespmem:s16+$0x8070]  }
0x3c: {  	v20 =	vld [tilespmem:s16+$0x80];
	v0 =	vsub.f32 v0, v1  }
0x3d: {  	v1 =	vsub.f32 v2, v3;
	v2 =	vsub.f32 v4, v5;
	v3 =	vld [tilespmem:s16+$0x8080]  }
0x3e: {  	v12 =	vimm.f32 $0.0e+00;
	v4 =	vsub.f32 v6, v7;
	v5 =	vld [tilespmem:s16+$0x90];
	v0 =	vmul.f32 v0, v0  }
0x3f: {  	v7 =	vsub.f32 v8, v9;
	v8 =	vld [tilespmem:s16+$0x8090];
	v1 =	vmul.f32 v1, v1;
	v2 =	vmul.f32 v2, v2  }
0x40: {  	v9 =	vld [tilespmem:s16+$0xA0];
	v10 =	vadd.f32 v0, v12;
	v0 =	vmul.f32 v4, v4;
	v4 =	vsub.f32 v11, v13  }
0x41: {  	v11 =	vadd.f32 v1, v12;
	v6 =	vadd.f32 v2, v12;
	v2 =	vld [tilespmem:s16+$0x80A0]  }
0x42: {  	v1 =	vmul.f32 v7, v7;
	v7 =	vsub.f32 v14, v15;
	v13 =	vld [tilespmem:s16+$0xB0];
	v14 =	vsub.f32 v16, v17  }
0x43: {  	v15 =	vld [tilespmem:s16+$0x80B0];
	v16 =	vsub.f32 v18, v19;
	v3 =	vsub.f32 v20, v3  }
0x44: {  	v22 =	vld [tilespmem:s16+$0xC0];
	v5 =	vsub.f32 v5, v8;
	v4 =	vmul.f32 v4, v4;
	v7 =	vmul.f32 v7, v7  }
0x45: {  	v20 =	vld [tilespmem:s16+$0x80C0];
	v0 =	vadd.f32 v0, v12;
	v1 =	vadd.f32 v1, v12;
	v14 =	vmul.f32 v14, v14  }
0x46: {  	v17 =	vmul.f32 v16, v16;
	v4 =	vadd.f32 v4, v12;
	v8 =	vadd.f32 v7, v12  }
0x47: {  	v16 =	vld [tilespmem:s16+$0xD0];
	v3 =	vmul.f32 v3, v3;
	v7 =	vadd.f32 v14, v12;
	v2 =	vsub.f32 v9, v2  }
0x48: {  	v14 =	vmul.f32 v5, v5;
	v9 =	vadd.f32 v17, v12;
	v17 =	vld [tilespmem:s16+$0x80D0];
	v13 =	vsub.f32 v13, v15  }
0x49: {  	v18 =	vld [tilespmem:s16+$0xE0];
	v5 =	vadd.f32 v3, v12;
	v15 =	vimm.f32 $0.0e+00;
	v21 =	vmul.f32 v2, v2  }
0x4a: {  	s15 =	simm.s32 $0x100;
	v19 =	vld [tilespmem:s16+$0x80E0];
	v22 =	vsub.f32 v22, v20;
	v2 =	vadd.f32 v14, v12;
	v14 =	vimm.f32 $0.0e+00  }
0x4b: {  	s16 =	simm.s32 $0x800;
	v20 =	vld [tilespmem:s15+$0xF0];
	v3 =	vadd.f32 v21, v12;
	v21 =	vmul.f32 v13, v13;
	v13 =	vimm.f32 $0.0e+00  }
.LBB2_2:
0x4c: {  	p0 =	sne.s32 s16, $0x7C00;
	v23 =	vld [tilespmem:s15+$0x80F0]  }
0x4d: {  	v24 =	vld [tilespmem:s15+$0x0];
	v12 =	vadd.f32 v21, v12;
	v21 =	vmul.f32 v22, v22;
	v16 =	vsub.f32 v16, v17  }
0x4e: {  	v17 =	vld [tilespmem:s15+$0x8000]  }
0x4f: {  	v22 =	vld [tilespmem:s15+$0x10];
	v15 =	vadd.f32 v21, v15;
	v16 =	vmul.f32 v16, v16;
	v18 =	vsub.f32 v18, v19  }
0x50: {  	v19 =	vld [tilespmem:s15+$0x8010]  }
0x51: {  	v21 =	vld [tilespmem:s15+$0x20];
	v20 =	vsub.f32 v20, v23;
	v14 =	vadd.f32 v16, v14;
	v16 =	vmul.f32 v18, v18  }
0x52: {  	v18 =	vld [tilespmem:s15+$0x8020]  }
0x53: {  	v17 =	vsub.f32 v24, v17;
	v23 =	vld [tilespmem:s15+$0x30];
	v20 =	vmul.f32 v20, v20;
	v13 =	vadd.f32 v16, v13  }
0x54: {  	v16 =	vld [tilespmem:s15+$0x8030]  }
0x55: {  	v17 =	vmul.f32 v17, v17;
	v19 =	vsub.f32 v22, v19;
	v22 =	vld [tilespmem:s15+$0x40];
	v10 =	vadd.f32 v20, v10  }
0x56: {  	v20 =	vld [tilespmem:s15+$0x8040]  }
0x57: {  	v11 =	vadd.f32 v17, v11;
	v17 =	vmul.f32 v19, v19;
	v18 =	vsub.f32 v21, v18;
	v19 =	vld [tilespmem:s15+$0x50]  }
0x58: {  	v21 =	vld [tilespmem:s15+$0x8050]  }
0x59: {  	v6 =	vadd.f32 v17, v6;
	v17 =	vmul.f32 v18, v18;
	v16 =	vsub.f32 v23, v16;
	v18 =	vld [tilespmem:s15+$0x60]  }
0x5a: {  	v23 =	vld [tilespmem:s15+$0x8060]  }
0x5b: {  	v0 =	vadd.f32 v17, v0;
	v16 =	vmul.f32 v16, v16;
	v17 =	vsub.f32 v22, v20;
	v20 =	vld [tilespmem:s15+$0x70]  }
0x5c: {  	v22 =	vld [tilespmem:s15+$0x8070]  }
0x5d: {  	v1 =	vadd.f32 v16, v1;
	v16 =	vmul.f32 v17, v17;
	v17 =	vsub.f32 v19, v21;
	v19 =	vld [tilespmem:s15+$0x80]  }
0x5e: {  	v21 =	vld [tilespmem:s15+$0x8080]  }
0x5f: {  	v4 =	vadd.f32 v16, v4;
	v16 =	vmul.f32 v17, v17;
	v17 =	vsub.f32 v18, v23;
	v18 =	vld [tilespmem:s15+$0x90]  }
0x60: {  	v23 =	vld [tilespmem:s15+$0x8090]  }
0x61: {  	v8 =	vadd.f32 v16, v8;
	v16 =	vmul.f32 v17, v17;
	v17 =	vsub.f32 v20, v22;
	v20 =	vld [tilespmem:s15+$0xA0]  }
0x62: {  	v22 =	vld [tilespmem:s15+$0x80A0]  }
0x63: {  	v7 =	vadd.f32 v16, v7;
	v16 =	vmul.f32 v17, v17;
	v17 =	vsub.f32 v19, v21;
	v19 =	vld [tilespmem:s15+$0xB0]  }
0x64: {  	v21 =	vld [tilespmem:s15+$0x80B0]  }
0x65: {  	v9 =	vadd.f32 v16, v9;
	v16 =	vmul.f32 v17, v17;
	v17 =	vsub.f32 v18, v23;
	v23 =	vld [tilespmem:s15+$0xC0]  }
0x66: {  	v24 =	vld [tilespmem:s15+$0x80C0]  }
.Ltmp0:
0x67: {  	v5 =	vadd.f32 v16, v5;
	v18 =	vmul.f32 v17, v17;
	v20 =	vsub.f32 v20, v22;
	v16 =	vld [tilespmem:s15+$0xD0];
	(pc) =	sbr.rel @p0 .LBB2_2-.Ltmp0, $4  }
0x68: {  	v17 =	vld [tilespmem:s15+$0x80D0]  }
0x69: {  	v2 =	vadd.f32 v18, v2;
	v22 =	vmul.f32 v20, v20;
	v21 =	vsub.f32 v19, v21;
	v18 =	vld [tilespmem:s15+$0xE0]  }
0x6a: {  	v19 =	vld [tilespmem:s15+$0x80E0];
	s15 =	sshra.s32 s16, $0x2  }
0x6b: {  	s16 =	sadd.s32 $0x400, s16;
	v20 =	vld [tilespmem:s15+$0xF0];
	v3 =	vadd.f32 v22, v3;
	v21 =	vmul.f32 v21, v21;
	v22 =	vsub.f32 v23, v24  }
0x6c: {  	v23 =	vld [tilespmem:s15+$0x80F0]  }
0x6d: {  	v24 =	vld [tilespmem:s15+$0x0]  }
0x6e: {  	v25 =	vld [tilespmem:s15+$0x8000]  }
0x6f: {  	v26 =	vld [tilespmem:s15+$0x10]  }
0x70: {  	v27 =	vld [tilespmem:s15+$0x8010]  }
0x71: {  	v28 =	vld [tilespmem:s15+$0x20]  }
0x72: {  	v29 =	vld [tilespmem:s15+$0x8020]  }
0x73: {  	v30 =	vld [tilespmem:s15+$0x30]  }
0x74: {  	v31 =	vld [tilespmem:s15+$0x8030]  }
0x75: {  	v32 =	vld [tilespmem:s15+$0x40]  }
0x76: {  	v33 =	vld [tilespmem:s15+$0x8040]  }
0x77: {  	v34 =	vld [tilespmem:s15+$0x50]  }
0x78: {  	v35 =	vld [tilespmem:s15+$0x8050]  }
0x79: {  	v36 =	vld [tilespmem:s15+$0x60]  }
0x7a: {  	v37 =	vld [tilespmem:s15+$0x8060]  }
0x7b: {  	v38 =	vld [tilespmem:s15+$0x70]  }
0x7c: {  	v39 =	vld [tilespmem:s15+$0x8070]  }
0x7d: {  	v40 =	vld [tilespmem:s15+$0x80]  }
0x7e: {  	v41 =	vld [tilespmem:s15+$0x8080]  }
0x7f: {  	v42 =	vld [tilespmem:s15+$0x90]  }
0x80: {  	v43 =	vld [tilespmem:s15+$0x8090]  }
0x81: {  	v44 =	vld [tilespmem:s15+$0xA0]  }
0x82: {  	v45 =	vld [tilespmem:s15+$0x80A0]  }
0x83: {  	v46 =	vld [tilespmem:s15+$0xB0]  }
0x84: {  	v47 =	vld [tilespmem:s15+$0x80B0]  }
0x85: {  	v48 =	vld [tilespmem:s15+$0xC0]  }
0x86: {  	v49 =	vld [tilespmem:s15+$0x80C0]  }
0x87: {  	v50 =	vld [tilespmem:s15+$0xD0]  }
0x88: {  	v51 =	vld [tilespmem:s15+$0x80D0]  }
0x89: {  	v52 =	vld [tilespmem:s15+$0xE0]  }
0x8a: {  	v53 =	vld [tilespmem:s15+$0x80E0];
	_ =	swait.ge [sflag:s24], $0x2000  }
0x8b: {  	[sflag:s24] =	ssyncset.done $0x0  }
0x8c: {  	[sflag:s24] =	ssyncadd.s32 $0xFFFFE000  }
0x8d: {  	_ =	swait.ge [sflag:s25], $0x2000  }
0x8e: {  	[sflag:s25] =	ssyncset.done $0x0  }
0x8f: {  	s16 =	simm.s32 $0x0;
	v16 =	vsub.f32 v16, v17;
	v17 =	vsub.f32 v18, v19;
	v19 =	vmul.f32 v22, v22;
	[sflag:s25] =	ssyncadd.s32 $0xFFFFE000  }
0x90: {  	v12 =	vadd.f32 v21, v12;
	v18 =	vsub.f32 v20, v23;
	v21 =	vld [tilespmem:s16+$0x20F0]  }
0x91: {  	v16 =	vmul.f32 v16, v16;
	v20 =	vsub.f32 v24, v25;
	v15 =	vadd.f32 v19, v15;
	v19 =	vld [tilespmem:s16+$0xA0F0]  }
0x92: {  	v22 =	vld [tilespmem:s16+$0x2000];
	v18 =	vmul.f32 v18, v18  }
0x93: {  	v14 =	vadd.f32 v16, v14;
	v25 =	vld [tilespmem:s16+$0xA010];
	v16 =	vmul.f32 v20, v20;
	v20 =	vsub.f32 v26, v27  }
0x94: {  	v23 =	vsub.f32 v30, v31;
	v61 =	vld [tilespmem:s16+$0x2030];
	v10 =	vadd.f32 v18, v10  }
0x95: {  	v62 =	vld [tilespmem:s16+$0xA030];
	v11 =	vadd.f32 v16, v11;
	v16 =	vmul.f32 v20, v20;
	v18 =	vsub.f32 v28, v29  }
0x96: {  	v17 =	vmul.f32 v17, v17;
	v60 =	vsub.f32 v36, v37;
	v54 =	vld [tilespmem:s16+$0xA050];
	v23 =	vmul.f32 v23, v23  }
0x97: {  	v56 =	vld [tilespmem:s16+$0x2060];
	v6 =	vadd.f32 v16, v6;
	v16 =	vmul.f32 v18, v18;
	v18 =	vsub.f32 v34, v35  }
0x98: {  	v58 =	vld [tilespmem:s16+$0xA060];
	v13 =	vadd.f32 v17, v13;
	v23 =	vadd.f32 v23, v1;
	v1 =	vmul.f32 v60, v60  }
0x99: {  	v17 =	vld [tilespmem:s16+$0xA000];
	v16 =	vadd.f32 v16, v0;
	v0 =	vmul.f32 v18, v18;
	v18 =	vsub.f32 v38, v39  }
0x9a: {  	v26 =	vld [tilespmem:s16+$0x2020];
	v7 =	vadd.f32 v1, v7;
	v1 =	vsub.f32 v42, v43  }
0x9b: {  	v20 =	vld [tilespmem:s16+$0x2010];
	v63 =	vadd.f32 v0, v8;
	v0 =	vmul.f32 v18, v18;
	v8 =	vsub.f32 v40, v41  }
0x9c: {  	v59 =	vsub.f32 v32, v33;
	v47 =	vsub.f32 v46, v47;
	v28 =	vld [tilespmem:s16+$0xA020];
	v1 =	vmul.f32 v1, v1  }
0x9d: {  	v60 =	vld [tilespmem:s16+$0x2070];
	v9 =	vadd.f32 v0, v9;
	v0 =	vmul.f32 v8, v8;
	v8 =	vsub.f32 v44, v45  }
0x9e: {  	v49 =	vsub.f32 v48, v49;
	v43 =	vld [tilespmem:s16+$0xA040];
	v57 =	vadd.f32 v1, v2;
	v1 =	vmul.f32 v47, v47  }
0x9f: {  	v18 =	vld [tilespmem:s16+$0x2040];
	v55 =	vadd.f32 v0, v5;
	v0 =	vmul.f32 v8, v8;
	v5 =	vsub.f32 v50, v51  }
0xa0: {  	v24 =	vmul.f32 v59, v59;
	v2 =	vmul.f32 v49, v49;
	v45 =	vld [tilespmem:s16+$0x2050];
	v8 =	vadd.f32 v1, v12  }
0xa1: {  	v12 =	vld [tilespmem:s16+$0xA070];
	v59 =	vadd.f32 v0, v3;
	v0 =	vmul.f32 v5, v5;
	v5 =	vsub.f32 v52, v53  }
0xa2: {  	v3 =	vadd.f32 v2, v15;
	v2 =	vsub.f32 v21, v19;
	v19 =	vld [tilespmem:s16+$0x2080]  }
0xa3: {  	v0 =	vadd.f32 v0, v14;
	v1 =	vmul.f32 v5, v5;
	v14 =	vsub.f32 v22, v17;
	v17 =	vld [tilespmem:s16+$0xA080]  }
0xa4: {  	v15 =	vsub.f32 v20, v25;
	v22 =	vsub.f32 v61, v62;
	v61 =	vld [tilespmem:s16+$0xA090]  }
0xa5: {  	v62 =	vld [tilespmem:s16+$0x20C0];
	v5 =	vadd.f32 v1, v13;
	v1 =	vmul.f32 v2, v2;
	v2 =	vsub.f32 v26, v28  }
0xa6: {  	v4 =	vadd.f32 v24, v4;
	v21 =	vmul.f32 v15, v15;
	v13 =	vld [tilespmem:s16+$0x2090];
	v20 =	vmul.f32 v14, v14  }
0xa7: {  	v14 =	vadd.f32 v1, v10;
	v1 =	vmul.f32 v2, v2;
	v2 =	vsub.f32 v18, v43;
	v18 =	vld [tilespmem:s16+$0x20A0]  }
0xa8: {  	v15 =	vadd.f32 v20, v11;
	v10 =	vadd.f32 v21, v6;
	v6 =	vmul.f32 v22, v22;
	v20 =	vld [tilespmem:s16+$0xA0A0]  }
0xa9: {  	v21 =	vld [tilespmem:s16+$0x20B0];
	v22 =	vsub.f32 v56, v58;
	v1 =	vadd.f32 v1, v16  }
0xaa: {  	v11 =	vmul.f32 v2, v2;
	v16 =	vsub.f32 v45, v54;
	v2 =	vadd.f32 v6, v23;
	v23 =	vld [tilespmem:s16+$0xA0B0]  }
0xab: {  	v17 =	vsub.f32 v19, v17;
	v19 =	vmul.f32 v22, v22;
	v22 =	vld [tilespmem:s16+$0xA0C0]  }
0xac: {  	v12 =	vsub.f32 v60, v12;
	v6 =	vadd.f32 v11, v4;
	v4 =	vmul.f32 v16, v16  }
0xad: {  	v13 =	vsub.f32 v13, v61  }
0xae: {  	v16 =	vld [tilespmem:s16+$0x20D0];
	v18 =	vsub.f32 v18, v20;
	v11 =	vadd.f32 v4, v63;
	v4 =	vmul.f32 v12, v12  }
0xaf: {  	v12 =	vadd.f32 v19, v7;
	v7 =	vmul.f32 v17, v17;
	v19 =	vmul.f32 v13, v13;
	v17 =	vld [tilespmem:s16+$0xA0D0]  }
0xb0: {  	v20 =	vld [tilespmem:s16+$0xA0E0];
	v63 =	vmul.f32 v18, v18;
	v21 =	vsub.f32 v21, v23;
	v22 =	vsub.f32 v62, v22  }
0xb1: {  	s15 =	simm.s32 $0x100;
	v18 =	vld [tilespmem:s16+$0x20E0];
	v13 =	vadd.f32 v4, v9;
	v9 =	vadd.f32 v7, v55  }
0xb2: {  	s16 =	simm.s32 $0x800;
	v4 =	vadd.f32 v19, v57;
	v19 =	vld [tilespmem:s15+$0x20F0];
	v7 =	vadd.f32 v63, v59;
	v21 =	vmul.f32 v21, v21  }
.LBB2_4:
0xb3: {  	p0 =	sne.s32 s16, $0x7C00;
	v23 =	vld [tilespmem:s15+$0xA0F0]  }
0xb4: {  	v24 =	vld [tilespmem:s15+$0x2000];
	v8 =	vadd.f32 v21, v8;
	v21 =	vmul.f32 v22, v22;
	v16 =	vsub.f32 v16, v17  }
0xb5: {  	v17 =	vld [tilespmem:s15+$0xA000]  }
0xb6: {  	v22 =	vld [tilespmem:s15+$0x2010];
	v3 =	vadd.f32 v21, v3;
	v16 =	vmul.f32 v16, v16;
	v18 =	vsub.f32 v18, v20  }
0xb7: {  	v20 =	vld [tilespmem:s15+$0xA010]  }
0xb8: {  	v21 =	vld [tilespmem:s15+$0x2020];
	v19 =	vsub.f32 v19, v23;
	v0 =	vadd.f32 v16, v0;
	v16 =	vmul.f32 v18, v18  }
0xb9: {  	v18 =	vld [tilespmem:s15+$0xA020]  }
0xba: {  	v17 =	vsub.f32 v24, v17;
	v23 =	vld [tilespmem:s15+$0x2030];
	v19 =	vmul.f32 v19, v19;
	v5 =	vadd.f32 v16, v5  }
0xbb: {  	v16 =	vld [tilespmem:s15+$0xA030]  }
0xbc: {  	v17 =	vmul.f32 v17, v17;
	v20 =	vsub.f32 v22, v20;
	v22 =	vld [tilespmem:s15+$0x2040];
	v14 =	vadd.f32 v19, v14  }
0xbd: {  	v19 =	vld [tilespmem:s15+$0xA040]  }
0xbe: {  	v15 =	vadd.f32 v17, v15;
	v17 =	vmul.f32 v20, v20;
	v18 =	vsub.f32 v21, v18;
	v20 =	vld [tilespmem:s15+$0x2050]  }
0xbf: {  	v21 =	vld [tilespmem:s15+$0xA050]  }
0xc0: {  	v10 =	vadd.f32 v17, v10;
	v17 =	vmul.f32 v18, v18;
	v16 =	vsub.f32 v23, v16;
	v18 =	vld [tilespmem:s15+$0x2060]  }
0xc1: {  	v23 =	vld [tilespmem:s15+$0xA060]  }
0xc2: {  	v1 =	vadd.f32 v17, v1;
	v16 =	vmul.f32 v16, v16;
	v17 =	vsub.f32 v22, v19;
	v19 =	vld [tilespmem:s15+$0x2070]  }
0xc3: {  	v22 =	vld [tilespmem:s15+$0xA070]  }
0xc4: {  	v2 =	vadd.f32 v16, v2;
	v16 =	vmul.f32 v17, v17;
	v17 =	vsub.f32 v20, v21;
	v20 =	vld [tilespmem:s15+$0x2080]  }
0xc5: {  	v21 =	vld [tilespmem:s15+$0xA080]  }
0xc6: {  	v6 =	vadd.f32 v16, v6;
	v16 =	vmul.f32 v17, v17;
	v17 =	vsub.f32 v18, v23;
	v18 =	vld [tilespmem:s15+$0x2090]  }
0xc7: {  	v23 =	vld [tilespmem:s15+$0xA090]  }
0xc8: {  	v11 =	vadd.f32 v16, v11;
	v16 =	vmul.f32 v17, v17;
	v17 =	vsub.f32 v19, v22;
	v19 =	vld [tilespmem:s15+$0x20A0]  }
0xc9: {  	v22 =	vld [tilespmem:s15+$0xA0A0]  }
0xca: {  	v12 =	vadd.f32 v16, v12;
	v16 =	vmul.f32 v17, v17;
	v17 =	vsub.f32 v20, v21;
	v20 =	vld [tilespmem:s15+$0x20B0]  }
0xcb: {  	v21 =	vld [tilespmem:s15+$0xA0B0]  }
0xcc: {  	v13 =	vadd.f32 v16, v13;
	v16 =	vmul.f32 v17, v17;
	v17 =	vsub.f32 v18, v23;
	v23 =	vld [tilespmem:s15+$0x20C0]  }
0xcd: {  	v24 =	vld [tilespmem:s15+$0xA0C0]  }
.Ltmp1:
0xce: {  	v9 =	vadd.f32 v16, v9;
	v18 =	vmul.f32 v17, v17;
	v19 =	vsub.f32 v19, v22;
	v16 =	vld [tilespmem:s15+$0x20D0];
	(pc) =	sbr.rel @p0 .LBB2_4-.Ltmp1, $4  }
0xcf: {  	v17 =	vld [tilespmem:s15+$0xA0D0]  }
0xd0: {  	v4 =	vadd.f32 v18, v4;
	v22 =	vmul.f32 v19, v19;
	v21 =	vsub.f32 v20, v21;
	v18 =	vld [tilespmem:s15+$0x20E0]  }
0xd1: {  	v20 =	vld [tilespmem:s15+$0xA0E0];
	s15 =	sshra.s32 s16, $0x2  }
0xd2: {  	s16 =	sadd.s32 $0x400, s16;
	v19 =	vld [tilespmem:s15+$0x20F0];
	v7 =	vadd.f32 v22, v7;
	v21 =	vmul.f32 v21, v21;
	v22 =	vsub.f32 v23, v24  }
0xd3: {  	v23 =	vld [tilespmem:s15+$0xA0F0]  }
0xd4: {  	v24 =	vld [tilespmem:s15+$0x2000]  }
0xd5: {  	v25 =	vld [tilespmem:s15+$0xA000]  }
0xd6: {  	v26 =	vld [tilespmem:s15+$0x2010]  }
0xd7: {  	v27 =	vld [tilespmem:s15+$0xA010]  }
0xd8: {  	v28 =	vld [tilespmem:s15+$0x2020]  }
0xd9: {  	v29 =	vld [tilespmem:s15+$0xA020]  }
0xda: {  	v30 =	vld [tilespmem:s15+$0x2030]  }
0xdb: {  	v31 =	vld [tilespmem:s15+$0xA030]  }
0xdc: {  	v32 =	vld [tilespmem:s15+$0x2040]  }
0xdd: {  	v33 =	vld [tilespmem:s15+$0xA040]  }
0xde: {  	v34 =	vld [tilespmem:s15+$0x2050]  }
0xdf: {  	v35 =	vld [tilespmem:s15+$0xA050]  }
0xe0: {  	v36 =	vld [tilespmem:s15+$0x2060]  }
0xe1: {  	v37 =	vld [tilespmem:s15+$0xA060]  }
0xe2: {  	v38 =	vld [tilespmem:s15+$0x2070]  }
0xe3: {  	v39 =	vld [tilespmem:s15+$0xA070]  }
0xe4: {  	v40 =	vld [tilespmem:s15+$0x2080]  }
0xe5: {  	v41 =	vld [tilespmem:s15+$0xA080]  }
0xe6: {  	v42 =	vld [tilespmem:s15+$0x2090]  }
0xe7: {  	v43 =	vld [tilespmem:s15+$0xA090]  }
0xe8: {  	v44 =	vld [tilespmem:s15+$0x20A0]  }
0xe9: {  	v45 =	vld [tilespmem:s15+$0xA0A0]  }
0xea: {  	v46 =	vld [tilespmem:s15+$0x20B0]  }
0xeb: {  	v47 =	vld [tilespmem:s15+$0xA0B0]  }
0xec: {  	v48 =	vld [tilespmem:s15+$0x20C0]  }
0xed: {  	v49 =	vld [tilespmem:s15+$0xA0C0]  }
0xee: {  	v50 =	vld [tilespmem:s15+$0x20D0]  }
0xef: {  	v51 =	vld [tilespmem:s15+$0xA0D0]  }
0xf0: {  	v52 =	vld [tilespmem:s15+$0x20E0]  }
0xf1: {  	v53 =	vld [tilespmem:s15+$0xA0E0];
	_ =	swait.ge [sflag:s26], $0x2000  }
0xf2: {  	[sflag:s26] =	ssyncset.done $0x0  }
0xf3: {  	[sflag:s26] =	ssyncadd.s32 $0xFFFFE000  }
0xf4: {  	_ =	swait.ge [sflag:s28], $0x2000  }
0xf5: {  	v16 =	vsub.f32 v16, v17;
	[sflag:s28] =	ssyncset.done $0x0  }
0xf6: {  	s16 =	simm.s32 $0x0;
	[sflag:s28] =	ssyncadd.s32 $0xFFFFE000  }
0xf7: {  	v8 =	vadd.f32 v21, v8;
	v16 =	vmul.f32 v16, v16;
	v21 =	vld [tilespmem:s16+$0x40F0]  }
0xf8: {  	v17 =	vsub.f32 v18, v20;
	v18 =	vsub.f32 v19, v23;
	v19 =	vmul.f32 v22, v22;
	v22 =	vld [tilespmem:s16+$0x4000]  }
0xf9: {  	v20 =	vsub.f32 v24, v25;
	v0 =	vadd.f32 v16, v0;
	v25 =	vld [tilespmem:s16+$0xC010]  }
0xfa: {  	v23 =	vsub.f32 v30, v31;
	v58 =	vsub.f32 v32, v33;
	v59 =	vld [tilespmem:s16+$0x4020];
	v18 =	vmul.f32 v18, v18  }
0xfb: {  	v60 =	vsub.f32 v36, v37;
	v61 =	vld [tilespmem:s16+$0xC020];
	v16 =	vmul.f32 v20, v20;
	v20 =	vsub.f32 v26, v27  }
0xfc: {  	v47 =	vsub.f32 v46, v47;
	v62 =	vld [tilespmem:s16+$0x4030];
	v14 =	vadd.f32 v18, v14  }
0xfd: {  	v63 =	vld [tilespmem:s16+$0xC030];
	v15 =	vadd.f32 v16, v15;
	v16 =	vmul.f32 v20, v20;
	v18 =	vsub.f32 v28, v29  }
0xfe: {  	v17 =	vmul.f32 v17, v17;
	v49 =	vsub.f32 v48, v49;
	v54 =	vld [tilespmem:s16+$0xC050];
	v3 =	vadd.f32 v19, v3  }
0xff: {  	v55 =	vld [tilespmem:s16+$0x4060];
	v10 =	vadd.f32 v16, v10;
	v16 =	vmul.f32 v18, v18;
	v18 =	vsub.f32 v34, v35  }
0x100: {  	v5 =	vadd.f32 v17, v5;
	v17 =	vld [tilespmem:s16+$0xC000];
	v23 =	vmul.f32 v23, v23;
	v24 =	vmul.f32 v58, v58  }
0x101: {  	v20 =	vld [tilespmem:s16+$0x4010];
	v1 =	vadd.f32 v16, v1;
	v16 =	vmul.f32 v18, v18;
	v18 =	vsub.f32 v38, v39  }
0x102: {  	v57 =	vld [tilespmem:s16+$0xC060];
	v2 =	vadd.f32 v23, v2;
	v6 =	vadd.f32 v24, v6;
	v23 =	vmul.f32 v60, v60  }
0x103: {  	v19 =	vld [tilespmem:s16+$0xC0F0];
	v11 =	vadd.f32 v16, v11;
	v16 =	vmul.f32 v18, v18;
	v18 =	vsub.f32 v40, v41  }
0x104: {  	v58 =	vld [tilespmem:s16+$0x4070];
	v12 =	vadd.f32 v23, v12;
	v23 =	vsub.f32 v42, v43  }
0x105: {  	v60 =	vld [tilespmem:s16+$0x40A0];
	v13 =	vadd.f32 v16, v13;
	v16 =	vmul.f32 v18, v18;
	v18 =	vsub.f32 v44, v45  }
0x106: {  	v43 =	vld [tilespmem:s16+$0xC040];
	v17 =	vsub.f32 v22, v17;
	v20 =	vsub.f32 v20, v25  }
0x107: {  	v22 =	vld [tilespmem:s16+$0x4090];
	v9 =	vadd.f32 v16, v9;
	v16 =	vmul.f32 v18, v18;
	v18 =	vsub.f32 v50, v51  }
0x108: {  	v24 =	vsub.f32 v62, v63;
	v23 =	vmul.f32 v23, v23;
	v41 =	vld [tilespmem:s16+$0x4040];
	v20 =	vmul.f32 v20, v20  }
0x109: {  	v45 =	vld [tilespmem:s16+$0x4050];
	v7 =	vadd.f32 v16, v7;
	v16 =	vmul.f32 v18, v18;
	v18 =	vsub.f32 v52, v53  }
0x10a: {  	v17 =	vmul.f32 v17, v17;
	v4 =	vadd.f32 v23, v4;
	v10 =	vadd.f32 v20, v10;
	v20 =	vld [tilespmem:s16+$0xC0A0]  }
0x10b: {  	v0 =	vadd.f32 v16, v0;
	v16 =	vmul.f32 v18, v18;
	v18 =	vsub.f32 v21, v19;
	v19 =	vld [tilespmem:s16+$0x4080]  }
0x10c: {  	v23 =	vmul.f32 v47, v47;
	v15 =	vadd.f32 v17, v15;
	v17 =	vmul.f32 v24, v24;
	v21 =	vld [tilespmem:s16+$0xC080]  }
0x10d: {  	v5 =	vadd.f32 v16, v5;
	v16 =	vmul.f32 v18, v18;
	v18 =	vsub.f32 v59, v61;
	v59 =	vld [tilespmem:s16+$0xC090]  }
0x10e: {  	v8 =	vadd.f32 v23, v8;
	v23 =	vld [tilespmem:s16+$0xC070];
	v2 =	vadd.f32 v17, v2  }
0x10f: {  	v14 =	vadd.f32 v16, v14;
	v16 =	vmul.f32 v18, v18;
	v18 =	vsub.f32 v41, v43  }
0x110: {  	v56 =	vmul.f32 v49, v49;
	v62 =	vld [tilespmem:s16+$0xC0B0];
	v17 =	vsub.f32 v55, v57;
	v20 =	vsub.f32 v60, v20  }
0x111: {  	v61 =	vld [tilespmem:s16+$0x40B0];
	v1 =	vadd.f32 v16, v1;
	v16 =	vmul.f32 v18, v18;
	v18 =	vsub.f32 v45, v54  }
0x112: {  	v17 =	vmul.f32 v17, v17;
	v19 =	vsub.f32 v19, v21;
	v21 =	vsub.f32 v22, v59;
	v22 =	vld [tilespmem:s16+$0xC0C0]  }
0x113: {  	v6 =	vadd.f32 v16, v6;
	v16 =	vmul.f32 v18, v18;
	v18 =	vsub.f32 v58, v23;
	v23 =	vld [tilespmem:s16+$0x40C0]  }
0x114: {  	v3 =	vadd.f32 v56, v3;
	v12 =	vadd.f32 v17, v12;
	v17 =	vld [tilespmem:s16+$0xC0D0];
	v63 =	vmul.f32 v20, v20  }
0x115: {  	v19 =	vmul.f32 v19, v19;
	v11 =	vadd.f32 v16, v11;
	v18 =	vmul.f32 v18, v18;
	v16 =	vld [tilespmem:s16+$0x40D0]  }
0x116: {  	v20 =	vld [tilespmem:s16+$0xC0E0];
	v7 =	vadd.f32 v63, v7;
	v24 =	vsub.f32 v61, v62;
	v21 =	vmul.f32 v21, v21  }
0x117: {  	s15 =	simm.s32 $0x100;
	v9 =	vadd.f32 v19, v9;
	v13 =	vadd.f32 v18, v13;
	v18 =	vld [tilespmem:s16+$0x40E0]  }
0x118: {  	v19 =	vld [tilespmem:s15+$0x40F0];
	v4 =	vadd.f32 v21, v4;
	v21 =	vmul.f32 v24, v24;
	s16 =	simm.s32 $0x800;
	v22 =	vsub.f32 v23, v22  }
.LBB2_6:
0x119: {  	p0 =	sne.s32 s16, $0x7C00;
	v23 =	vld [tilespmem:s15+$0xC0F0]  }
0x11a: {  	v24 =	vld [tilespmem:s15+$0x4000];
	v8 =	vadd.f32 v21, v8;
	v21 =	vmul.f32 v22, v22;
	v16 =	vsub.f32 v16, v17  }
0x11b: {  	v17 =	vld [tilespmem:s15+$0xC000]  }
0x11c: {  	v22 =	vld [tilespmem:s15+$0x4010];
	v3 =	vadd.f32 v21, v3;
	v16 =	vmul.f32 v16, v16;
	v18 =	vsub.f32 v18, v20  }
0x11d: {  	v20 =	vld [tilespmem:s15+$0xC010]  }
0x11e: {  	v21 =	vld [tilespmem:s15+$0x4020];
	v19 =	vsub.f32 v19, v23;
	v0 =	vadd.f32 v16, v0;
	v16 =	vmul.f32 v18, v18  }
0x11f: {  	v18 =	vld [tilespmem:s15+$0xC020]  }
0x120: {  	v17 =	vsub.f32 v24, v17;
	v23 =	vld [tilespmem:s15+$0x4030];
	v19 =	vmul.f32 v19, v19;
	v5 =	vadd.f32 v16, v5  }
0x121: {  	v16 =	vld [tilespmem:s15+$0xC030]  }
0x122: {  	v17 =	vmul.f32 v17, v17;
	v20 =	vsub.f32 v22, v20;
	v22 =	vld [tilespmem:s15+$0x4040];
	v14 =	vadd.f32 v19, v14  }
0x123: {  	v19 =	vld [tilespmem:s15+$0xC040]  }
0x124: {  	v15 =	vadd.f32 v17, v15;
	v17 =	vmul.f32 v20, v20;
	v18 =	vsub.f32 v21, v18;
	v20 =	vld [tilespmem:s15+$0x4050]  }
0x125: {  	v21 =	vld [tilespmem:s15+$0xC050]  }
0x126: {  	v10 =	vadd.f32 v17, v10;
	v17 =	vmul.f32 v18, v18;
	v16 =	vsub.f32 v23, v16;
	v18 =	vld [tilespmem:s15+$0x4060]  }
0x127: {  	v23 =	vld [tilespmem:s15+$0xC060]  }
0x128: {  	v1 =	vadd.f32 v17, v1;
	v16 =	vmul.f32 v16, v16;
	v17 =	vsub.f32 v22, v19;
	v19 =	vld [tilespmem:s15+$0x4070]  }
0x129: {  	v22 =	vld [tilespmem:s15+$0xC070]  }
0x12a: {  	v2 =	vadd.f32 v16, v2;
	v16 =	vmul.f32 v17, v17;
	v17 =	vsub.f32 v20, v21;
	v20 =	vld [tilespmem:s15+$0x4080]  }
0x12b: {  	v21 =	vld [tilespmem:s15+$0xC080]  }
0x12c: {  	v6 =	vadd.f32 v16, v6;
	v16 =	vmul.f32 v17, v17;
	v17 =	vsub.f32 v18, v23;
	v18 =	vld [tilespmem:s15+$0x4090]  }
0x12d: {  	v23 =	vld [tilespmem:s15+$0xC090]  }
0x12e: {  	v11 =	vadd.f32 v16, v11;
	v16 =	vmul.f32 v17, v17;
	v17 =	vsub.f32 v19, v22;
	v19 =	vld [tilespmem:s15+$0x40A0]  }
0x12f: {  	v22 =	vld [tilespmem:s15+$0xC0A0]  }
0x130: {  	v12 =	vadd.f32 v16, v12;
	v16 =	vmul.f32 v17, v17;
	v17 =	vsub.f32 v20, v21;
	v20 =	vld [tilespmem:s15+$0x40B0]  }
0x131: {  	v21 =	vld [tilespmem:s15+$0xC0B0]  }
0x132: {  	v13 =	vadd.f32 v16, v13;
	v16 =	vmul.f32 v17, v17;
	v17 =	vsub.f32 v18, v23;
	v23 =	vld [tilespmem:s15+$0x40C0]  }
0x133: {  	v24 =	vld [tilespmem:s15+$0xC0C0]  }
.Ltmp2:
0x134: {  	v9 =	vadd.f32 v16, v9;
	v18 =	vmul.f32 v17, v17;
	v19 =	vsub.f32 v19, v22;
	v16 =	vld [tilespmem:s15+$0x40D0];
	(pc) =	sbr.rel @p0 .LBB2_6-.Ltmp2, $4  }
0x135: {  	v17 =	vld [tilespmem:s15+$0xC0D0]  }
0x136: {  	v4 =	vadd.f32 v18, v4;
	v22 =	vmul.f32 v19, v19;
	v21 =	vsub.f32 v20, v21;
	v18 =	vld [tilespmem:s15+$0x40E0]  }
0x137: {  	v20 =	vld [tilespmem:s15+$0xC0E0];
	s15 =	sshra.s32 s16, $0x2  }
0x138: {  	s16 =	sadd.s32 $0x400, s16;
	v19 =	vld [tilespmem:s15+$0x40F0];
	v7 =	vadd.f32 v22, v7;
	v21 =	vmul.f32 v21, v21;
	v22 =	vsub.f32 v23, v24  }
0x139: {  	v23 =	vld [tilespmem:s15+$0xC0F0]  }
0x13a: {  	v24 =	vld [tilespmem:s15+$0x4000]  }
0x13b: {  	v25 =	vld [tilespmem:s15+$0xC000]  }
0x13c: {  	v26 =	vld [tilespmem:s15+$0x4010]  }
0x13d: {  	v27 =	vld [tilespmem:s15+$0xC010]  }
0x13e: {  	v28 =	vld [tilespmem:s15+$0x4020]  }
0x13f: {  	v29 =	vld [tilespmem:s15+$0xC020]  }
0x140: {  	v30 =	vld [tilespmem:s15+$0x4030]  }
0x141: {  	v31 =	vld [tilespmem:s15+$0xC030]  }
0x142: {  	v32 =	vld [tilespmem:s15+$0x4040]  }
0x143: {  	v33 =	vld [tilespmem:s15+$0xC040]  }
0x144: {  	v34 =	vld [tilespmem:s15+$0x4050]  }
0x145: {  	v35 =	vld [tilespmem:s15+$0xC050]  }
0x146: {  	v36 =	vld [tilespmem:s15+$0x4060]  }
0x147: {  	v37 =	vld [tilespmem:s15+$0xC060]  }
0x148: {  	v38 =	vld [tilespmem:s15+$0x4070]  }
0x149: {  	v39 =	vld [tilespmem:s15+$0xC070]  }
0x14a: {  	v40 =	vld [tilespmem:s15+$0x4080]  }
0x14b: {  	v41 =	vld [tilespmem:s15+$0xC080]  }
0x14c: {  	v42 =	vld [tilespmem:s15+$0x4090]  }
0x14d: {  	v43 =	vld [tilespmem:s15+$0xC090]  }
0x14e: {  	v44 =	vld [tilespmem:s15+$0x40A0]  }
0x14f: {  	v45 =	vld [tilespmem:s15+$0xC0A0]  }
0x150: {  	v46 =	vld [tilespmem:s15+$0x40B0]  }
0x151: {  	v47 =	vld [tilespmem:s15+$0xC0B0]  }
0x152: {  	v48 =	vld [tilespmem:s15+$0x40C0]  }
0x153: {  	v49 =	vld [tilespmem:s15+$0xC0C0]  }
0x154: {  	v50 =	vld [tilespmem:s15+$0x40D0]  }
0x155: {  	v51 =	vld [tilespmem:s15+$0xC0D0]  }
0x156: {  	v52 =	vld [tilespmem:s15+$0x40E0]  }
0x157: {  	v53 =	vld [tilespmem:s15+$0xC0E0];
	_ =	swait.ge [sflag:s29], $0x2000  }
0x158: {  	[sflag:s29] =	ssyncset.done $0x0  }
0x159: {  	v16 =	vsub.f32 v16, v17;
	[sflag:s29] =	ssyncadd.s32 $0xFFFFE000  }
0x15a: {  	_ =	swait.ge [sflag:s30], $0x2000;
	v17 =	vsub.f32 v18, v20;
	v18 =	vsub.f32 v19, v23  }
0x15b: {  	v16 =	vmul.f32 v16, v16;
	[sflag:s30] =	ssyncset.done $0x0;
	v20 =	vsub.f32 v24, v25  }
0x15c: {  	s16 =	simm.s32 $0x0;
	v8 =	vadd.f32 v21, v8;
	[sflag:s30] =	ssyncadd.s32 $0xFFFFE000;
	v18 =	vmul.f32 v18, v18  }
0x15d: {  	v0 =	vadd.f32 v16, v0;
	v21 =	vld [tilespmem:s16+$0x60F0];
	v16 =	vmul.f32 v20, v20;
	v20 =	vsub.f32 v26, v27  }
0x15e: {  	v19 =	vmul.f32 v22, v22;
	v23 =	vsub.f32 v30, v31;
	v22 =	vld [tilespmem:s16+$0x6000];
	v14 =	vadd.f32 v18, v14  }
0x15f: {  	v25 =	vld [tilespmem:s16+$0xE010];
	v15 =	vadd.f32 v16, v15;
	v16 =	vmul.f32 v20, v20;
	v18 =	vsub.f32 v28, v29  }
0x160: {  	v17 =	vmul.f32 v17, v17;
	v59 =	vsub.f32 v32, v33;
	v60 =	vsub.f32 v36, v37;
	v61 =	vld [tilespmem:s16+$0xE020]  }
0x161: {  	v62 =	vld [tilespmem:s16+$0x6030];
	v10 =	vadd.f32 v16, v10;
	v16 =	vmul.f32 v18, v18;
	v18 =	vsub.f32 v34, v35  }
0x162: {  	v47 =	vsub.f32 v46, v47;
	v63 =	vld [tilespmem:s16+$0xE030];
	v3 =	vadd.f32 v19, v3;
	v23 =	vmul.f32 v23, v23  }
0x163: {  	v55 =	vld [tilespmem:s16+$0xE050];
	v16 =	vadd.f32 v16, v1;
	v1 =	vmul.f32 v18, v18;
	v18 =	vsub.f32 v38, v39  }
0x164: {  	v57 =	vld [tilespmem:s16+$0x6060];
	v5 =	vadd.f32 v17, v5;
	v23 =	vadd.f32 v23, v2;
	v2 =	vmul.f32 v60, v60  }
0x165: {  	v19 =	vld [tilespmem:s16+$0xE0F0];
	v11 =	vadd.f32 v1, v11;
	v1 =	vmul.f32 v18, v18;
	v18 =	vsub.f32 v40, v41  }
0x166: {  	v17 =	vld [tilespmem:s16+$0xE000];
	v41 =	vadd.f32 v2, v12;
	v2 =	vsub.f32 v42, v43  }
0x167: {  	v26 =	vld [tilespmem:s16+$0x6020];
	v43 =	vadd.f32 v1, v13;
	v1 =	vmul.f32 v18, v18;
	v13 =	vsub.f32 v44, v45  }
0x168: {  	v54 =	vsub.f32 v48, v49;
	v24 =	vmul.f32 v59, v59;
	v59 =	vld [tilespmem:s16+$0xE060];
	v2 =	vmul.f32 v2, v2  }
0x169: {  	v20 =	vld [tilespmem:s16+$0x6010];
	v56 =	vadd.f32 v1, v9;
	v1 =	vmul.f32 v13, v13;
	v9 =	vsub.f32 v50, v51  }
0x16a: {  	v40 =	vld [tilespmem:s16+$0x6040];
	v58 =	vadd.f32 v2, v4;
	v2 =	vmul.f32 v47, v47;
	v13 =	vmul.f32 v54, v54  }
0x16b: {  	v12 =	vld [tilespmem:s16+$0xE040];
	v60 =	vadd.f32 v1, v7;
	v7 =	vsub.f32 v52, v53  }
0x16c: {  	v18 =	vld [tilespmem:s16+$0x6050];
	v1 =	vmul.f32 v9, v9;
	v4 =	vadd.f32 v2, v8;
	v3 =	vadd.f32 v13, v3  }
0x16d: {  	v9 =	vld [tilespmem:s16+$0x6070];
	v2 =	vsub.f32 v21, v19;
	v13 =	vsub.f32 v22, v17  }
0x16e: {  	v8 =	vld [tilespmem:s16+$0xE070];
	v17 =	vsub.f32 v20, v25;
	v0 =	vadd.f32 v1, v0;
	v1 =	vmul.f32 v7, v7  }
0x16f: {  	v19 =	vld [tilespmem:s16+$0xE080];
	v21 =	vsub.f32 v62, v63;
	v2 =	vmul.f32 v2, v2  }
0x170: {  	v20 =	vld [tilespmem:s16+$0x6090];
	v13 =	vmul.f32 v13, v13;
	v17 =	vmul.f32 v17, v17;
	v1 =	vadd.f32 v1, v5  }
0x171: {  	v7 =	vld [tilespmem:s16+$0x6080];
	v5 =	vsub.f32 v26, v61;
	v2 =	vadd.f32 v2, v14  }
0x172: {  	v22 =	vld [tilespmem:s16+$0xE090];
	v14 =	vadd.f32 v13, v15;
	v15 =	vadd.f32 v17, v10;
	v10 =	vmul.f32 v21, v21  }
0x173: {  	v62 =	vld [tilespmem:s16+$0x60A0];
	v61 =	vsub.f32 v40, v12;
	v5 =	vmul.f32 v5, v5  }
0x174: {  	v6 =	vadd.f32 v24, v6;
	v17 =	vld [tilespmem:s16+$0xE0A0];
	v13 =	vadd.f32 v10, v23  }
0x175: {  	v23 =	vld [tilespmem:s16+$0xE0B0];
	v12 =	vadd.f32 v5, v16;
	v5 =	vmul.f32 v61, v61;
	v16 =	vsub.f32 v18, v55  }
0x176: {  	v21 =	vsub.f32 v57, v59;
	v7 =	vsub.f32 v7, v19;
	v18 =	vld [tilespmem:s16+$0x60B0]  }
0x177: {  	v63 =	vld [tilespmem:s16+$0x60C0];
	v10 =	vadd.f32 v5, v6;
	v5 =	vmul.f32 v16, v16;
	v6 =	vsub.f32 v9, v8  }
0x178: {  	v7 =	vmul.f32 v7, v7;
	v8 =	vmul.f32 v21, v21;
	v9 =	vsub.f32 v20, v22;
	v21 =	vld [tilespmem:s16+$0xE0C0]  }
0x179: {  	v19 =	vld [tilespmem:s16+$0x60D0];
	v11 =	vadd.f32 v5, v11;
	v5 =	vmul.f32 v6, v6;
	v6 =	vsub.f32 v62, v17  }
0x17a: {  	v20 =	vld [tilespmem:s16+$0xE0D0];
	v7 =	vadd.f32 v7, v56;
	v16 =	vmul.f32 v9, v9  }
0x17b: {  	v17 =	vld [tilespmem:s16+$0x60E0];
	v22 =	vsub.f32 v18, v23;
	v9 =	vadd.f32 v5, v43;
	v5 =	vmul.f32 v6, v6  }
0x17c: {  	s15 =	simm.s32 $0x100;
	v8 =	vadd.f32 v8, v41;
	v18 =	vld [tilespmem:s16+$0xE0E0];
	v6 =	vadd.f32 v16, v58  }
0x17d: {  	s16 =	simm.s32 $0x800;
	v16 =	vld [tilespmem:s15+$0x60F0];
	v22 =	vmul.f32 v22, v22;
	v21 =	vsub.f32 v63, v21;
	v5 =	vadd.f32 v5, v60  }
.LBB2_8:
0x17e: {  	p0 =	sne.s32 s16, $0x7C00;
	v23 =	vld [tilespmem:s15+$0xE0F0]  }
0x17f: {  	v24 =	vld [tilespmem:s15+$0x6000];
	v4 =	vadd.f32 v22, v4;
	v21 =	vmul.f32 v21, v21;
	v19 =	vsub.f32 v19, v20  }
0x180: {  	v20 =	vld [tilespmem:s15+$0xE000]  }
0x181: {  	v22 =	vld [tilespmem:s15+$0x6010];
	v3 =	vadd.f32 v21, v3;
	v19 =	vmul.f32 v19, v19;
	v17 =	vsub.f32 v17, v18  }
0x182: {  	v18 =	vld [tilespmem:s15+$0xE010]  }
0x183: {  	v21 =	vld [tilespmem:s15+$0x6020];
	v16 =	vsub.f32 v16, v23;
	v0 =	vadd.f32 v19, v0;
	v17 =	vmul.f32 v17, v17  }
0x184: {  	v19 =	vld [tilespmem:s15+$0xE020]  }
0x185: {  	v20 =	vsub.f32 v24, v20;
	v23 =	vld [tilespmem:s15+$0x6030];
	v16 =	vmul.f32 v16, v16;
	v1 =	vadd.f32 v17, v1  }
0x186: {  	v17 =	vld [tilespmem:s15+$0xE030]  }
0x187: {  	v20 =	vmul.f32 v20, v20;
	v18 =	vsub.f32 v22, v18;
	v22 =	vld [tilespmem:s15+$0x6040];
	v2 =	vadd.f32 v16, v2  }
0x188: {  	v16 =	vld [tilespmem:s15+$0xE040]  }
0x189: {  	v14 =	vadd.f32 v20, v14;
	v18 =	vmul.f32 v18, v18;
	v19 =	vsub.f32 v21, v19;
	v20 =	vld [tilespmem:s15+$0x6050]  }
0x18a: {  	v21 =	vld [tilespmem:s15+$0xE050]  }
0x18b: {  	v15 =	vadd.f32 v18, v15;
	v18 =	vmul.f32 v19, v19;
	v17 =	vsub.f32 v23, v17;
	v19 =	vld [tilespmem:s15+$0x6060]  }
0x18c: {  	v23 =	vld [tilespmem:s15+$0xE060]  }
0x18d: {  	v12 =	vadd.f32 v18, v12;
	v17 =	vmul.f32 v17, v17;
	v16 =	vsub.f32 v22, v16;
	v18 =	vld [tilespmem:s15+$0x6070]  }
0x18e: {  	v22 =	vld [tilespmem:s15+$0xE070]  }
0x18f: {  	v13 =	vadd.f32 v17, v13;
	v16 =	vmul.f32 v16, v16;
	v17 =	vsub.f32 v20, v21;
	v20 =	vld [tilespmem:s15+$0x6080]  }
0x190: {  	v21 =	vld [tilespmem:s15+$0xE080]  }
0x191: {  	v10 =	vadd.f32 v16, v10;
	v16 =	vmul.f32 v17, v17;
	v17 =	vsub.f32 v19, v23;
	v19 =	vld [tilespmem:s15+$0x6090]  }
0x192: {  	v23 =	vld [tilespmem:s15+$0xE090]  }
0x193: {  	v11 =	vadd.f32 v16, v11;
	v16 =	vmul.f32 v17, v17;
	v17 =	vsub.f32 v18, v22;
	v18 =	vld [tilespmem:s15+$0x60A0]  }
0x194: {  	v22 =	vld [tilespmem:s15+$0xE0A0]  }
0x195: {  	v8 =	vadd.f32 v16, v8;
	v16 =	vmul.f32 v17, v17;
	v17 =	vsub.f32 v20, v21;
	v21 =	vld [tilespmem:s15+$0x60B0]  }
0x196: {  	v24 =	vld [tilespmem:s15+$0xE0B0]  }
0x197: {  	v9 =	vadd.f32 v16, v9;
	v16 =	vmul.f32 v17, v17;
	v17 =	vsub.f32 v19, v23;
	v23 =	vld [tilespmem:s15+$0x60C0]  }
0x198: {  	v25 =	vld [tilespmem:s15+$0xE0C0]  }
.Ltmp3:
0x199: {  	v7 =	vadd.f32 v16, v7;
	v16 =	vmul.f32 v17, v17;
	v17 =	vsub.f32 v18, v22;
	v19 =	vld [tilespmem:s15+$0x60D0];
	(pc) =	sbr.rel @p0 .LBB2_8-.Ltmp3, $4  }
0x19a: {  	v20 =	vld [tilespmem:s15+$0xE0D0]  }
0x19b: {  	v6 =	vadd.f32 v16, v6;
	v22 =	vmul.f32 v17, v17;
	v21 =	vsub.f32 v21, v24;
	v17 =	vld [tilespmem:s15+$0x60E0]  }
0x19c: {  	v18 =	vld [tilespmem:s15+$0xE0E0];
	s15 =	sshra.s32 s16, $0x2  }
0x19d: {  	s16 =	sadd.s32 $0x400, s16;
	v16 =	vld [tilespmem:s15+$0x60F0];
	v5 =	vadd.f32 v22, v5;
	v22 =	vmul.f32 v21, v21;
	v21 =	vsub.f32 v23, v25  }
0x19e: {  	v23 =	vld [tilespmem:s15+$0x6000]  }
0x19f: {  	v24 =	vld [tilespmem:s15+$0xE000]  }
0x1a0: {  	v25 =	vld [tilespmem:s15+$0x6010]  }
0x1a1: {  	v26 =	vld [tilespmem:s15+$0xE010]  }
0x1a2: {  	v27 =	vld [tilespmem:s15+$0x6020]  }
0x1a3: {  	v28 =	vld [tilespmem:s15+$0xE020]  }
0x1a4: {  	v29 =	vld [tilespmem:s15+$0x6030]  }
0x1a5: {  	v30 =	vld [tilespmem:s15+$0xE030]  }
0x1a6: {  	v31 =	vld [tilespmem:s15+$0x6040]  }
0x1a7: {  	v60 =	vld [tilespmem:s15+$0xE040];
	v23 =	vsub.f32 v23, v24;
	v59 =	vsub.f32 v25, v26  }
0x1a8: {  	v61 =	vld [tilespmem:s15+$0x6050]  }
0x1a9: {  	v62 =	vld [tilespmem:s15+$0xE050];
	v27 =	vsub.f32 v27, v28;
	v23 =	vmul.f32 v23, v23;
	v24 =	vmul.f32 v59, v59  }
0x1aa: {  	v63 =	vld [tilespmem:s15+$0x6060];
	v29 =	vsub.f32 v29, v30  }
0x1ab: {  	v33 =	vld [tilespmem:s15+$0xE060];
	v32 =	vmul.f32 v27, v27;
	v14 =	vadd.f32 v23, v14;
	v15 =	vadd.f32 v24, v15  }
0x1ac: {  	v35 =	vld [tilespmem:s15+$0x6070];
	v25 =	vsub.f32 v31, v60  }
0x1ad: {  	v36 =	vld [tilespmem:s15+$0xE070];
	v34 =	vmul.f32 v29, v29;
	v12 =	vadd.f32 v32, v12;
	v14 =	vadd.f32 v15, v14  }
0x1ae: {  	v38 =	vld [tilespmem:s15+$0x6080];
	v26 =	vsub.f32 v61, v62;
	v37 =	vmul.f32 v25, v25  }
0x1af: {  	v39 =	vld [tilespmem:s15+$0xE080];
	v13 =	vadd.f32 v34, v13;
	v12 =	vadd.f32 v12, v14  }
0x1b0: {  	v40 =	vld [tilespmem:s15+$0x6090];
	v10 =	vadd.f32 v37, v10  }
0x1b1: {  	v41 =	vld [tilespmem:s15+$0xE090];
	v26 =	vmul.f32 v26, v26;
	v24 =	vsub.f32 v63, v33;
	v12 =	vadd.f32 v13, v12  }
0x1b2: {  	v42 =	vld [tilespmem:s15+$0x60A0];
	v15 =	vsub.f32 v35, v36  }
0x1b3: {  	v43 =	vld [tilespmem:s15+$0xE0A0];
	v11 =	vadd.f32 v26, v11;
	v24 =	vmul.f32 v24, v24;
	v10 =	vadd.f32 v10, v12  }
0x1b4: {  	v44 =	vld [tilespmem:s15+$0x60B0];
	v15 =	vmul.f32 v15, v15;
	v14 =	vsub.f32 v38, v39  }
0x1b5: {  	v45 =	vld [tilespmem:s15+$0xE0B0];
	v8 =	vadd.f32 v24, v8;
	v10 =	vadd.f32 v11, v10  }
0x1b6: {  	v46 =	vld [tilespmem:s15+$0x60C0];
	v9 =	vadd.f32 v15, v9;
	v14 =	vmul.f32 v14, v14  }
0x1b7: {  	v47 =	vld [tilespmem:s15+$0xE0C0];
	v13 =	vsub.f32 v40, v41;
	v8 =	vadd.f32 v8, v10  }
0x1b8: {  	v48 =	vld [tilespmem:s15+$0x60D0];
	v4 =	vadd.f32 v22, v4;
	v7 =	vadd.f32 v14, v7  }
0x1b9: {  	v50 =	vld [tilespmem:s15+$0xE0D0];
	v13 =	vmul.f32 v13, v13;
	v12 =	vsub.f32 v42, v43;
	v8 =	vadd.f32 v9, v8  }
0x1ba: {  	v49 =	vmul.f32 v21, v21;
	v19 =	vsub.f32 v19, v20;
	v11 =	vsub.f32 v44, v45  }
0x1bb: {  	v51 =	vld [tilespmem:s15+$0x60E0];
	v6 =	vadd.f32 v13, v6;
	v12 =	vmul.f32 v12, v12;
	v7 =	vadd.f32 v7, v8  }
0x1bc: {  	v52 =	vld [tilespmem:s15+$0xE0E0];
	v3 =	vadd.f32 v49, v3;
	v55 =	vmul.f32 v19, v19;
	v10 =	vsub.f32 v46, v47  }
0x1bd: {  	v54 =	vld [tilespmem:s15+$0xE0F0];
	v53 =	vmul.f32 v11, v11;
	v5 =	vadd.f32 v12, v5;
	v6 =	vadd.f32 v6, v7  }
0x1be: {  	v56 =	vsub.f32 v17, v18;
	v58 =	vsub.f32 v48, v50;
	v57 =	vmul.f32 v10, v10  }
0x1bf: {  	v4 =	vadd.f32 v53, v4;
	v5 =	vadd.f32 v5, v6  }
0x1c0: {  	v0 =	vadd.f32 v55, v0;
	v59 =	vmul.f32 v56, v56;
	v3 =	vadd.f32 v57, v3  }
0x1c1: {  	v60 =	vmul.f32 v58, v58;
	v8 =	vsub.f32 v51, v52;
	v4 =	vadd.f32 v4, v5  }
0x1c2: {  	v61 =	vsub.f32 v16, v54;
	v1 =	vadd.f32 v59, v1  }
0x1c3: {  	v0 =	vadd.f32 v60, v0;
	v62 =	vmul.f32 v8, v8;
	v3 =	vadd.f32 v3, v4;
	_ =	sdelay $0x1  }
0x1c4: {  	v63 =	vmul.f32 v61, v61;
	v1 =	vadd.f32 v62, v1;
	v0 =	vadd.f32 v0, v3;
	_ =	sdelay $0x1  }
0x1c5: {  	v2 =	vadd.f32 v63, v2;
	v0 =	vadd.f32 v1, v0;
	_ =	sdelay $0x1  }
0x1c6: {  	s0 =	sadd.s32 $0x1, s0;
	v0 =	vadd.f32 v2, v0  }
0x1c7: {  	p0 =	sne.s32 s0, s12  }
.Ltmp4:
0x1c8: {  	[tilespmem:$0x10000] =	vst v0;
	(pc) =	sbr.rel @p0 .LBB2_1-.Ltmp4, $4  }
0x1c9: {  	[hbm4b:s11+s2] =	stream.linear.scatter [tilespmem:s31], [sflag:$0x9], $0x80, $0x38;
	[tilespmem:$0x10080] =	vst v63  }
0x1ca: {  	_ =	swait.ge [sflag:s1], $0x80  }
0x1cb: {  	[sflag:s1] =	ssyncset.done $0x0  }
0x1cc: {  	[sflag:s1] =	ssyncadd.s32 $0xFFFFFF80  }
0x1cd: {  	_ =	sfence.sel $0x180000  }
0x1ce: {  	[bflag:$0x0] =	sbarrier.arrive $0xFFFF  }
0x1cf: {  	_ =	strace $0x90000047  }
0x1d0: {  	s0 =	stileid.u32;
	[bflag:$0x2] =	sbarrier.arrive $0xFFFF  }
0x1d1: {  	p0 =	sne.s32 s0, $0x0;
	s0 =	rddreg [dreg:$0x3]  }
0x1d2: {  	s0 =	sadd.s32 @!p0 $0x100000, s0  }
0x1d3: {  	[sflag:s0] =	ssyncadd.tile.s32 @!p0 $0x1;
	_ =	shalt  }
.Lfunc_end2:
_tile_overlayer_lowered:
.L_overlay_start_2:
0x1d4: {  	(tag) =	ssettag $0x2  }
0x1d5: {  	s0 =	rddreg [dreg:$0x0];
	s2 =	stileid.u32  }
0x1d6: {  	s1 =	rddreg [dreg:$0x1];
	p0 =	sne.s32 s2, $0x0  }
0x1d7: {  	s3 =	rddreg [dreg:$0x2];
	[bflag:$0x3] =	sbarrier.arrive $0xFFFF;
	s2 =	simm.s32 @!p0 $0x1C09  }
0x1d8: {  	[timem:s3], [sflag:s2] =	dma.local @!p0 [hbm:s0], s1  }
0x1d9: {  	s0 =	simm.s32 @!p0 $0x9  }
0x1da: {  	_ =	swait.ge @!p0 [sflag:s0], s1  }
0x1db: {  	s1 =	ssub.s32 @!p0 $0x0, s1;
	[sflag:s0] =	ssyncset.done @!p0 $0x0  }
0x1dc: {  	[sflag:s0] =	ssyncadd.s32 @!p0 s1  }
0x1dd: {  	[bflag:$0x3] =	sbarrier.arrive $0xFFFF  }
0x1de: {  	_ =	shalt  }

</sc_bundles>
